<compile_context>
chip_gen: v7x
topology: tpu7x:2x2x1
jax: 0.10.2.dev20260603
libtpu: 0.0.44.dev20260713+nightly
codegen_flags: <defaults>
</compile_context>

<pallas_src>
import functools

import jax
import jax.numpy as jnp
from jax import lax
from jax.experimental import pallas as pl
from jax.experimental.pallas import tpu as pltpu
from jax.experimental.pallas import tpu_sc as plsc

_N = 10000
_E = 320000
_D_IN = 128
_D_H = 128
_N_CLS = 32

_LANES = 128
_N_TILES = 32
_CHUNKS = -(-_E // (_LANES * _N_TILES * 8)) * 8
_EP = _CHUNKS * _LANES * _N_TILES
_TRASH = 128
_NP = 10240
_ROWS_PER_TILE = _NP // 16


def _make_sc_agg(d):
    mesh = plsc.VectorSubcoreMesh(core_axis_name="c", subcore_axis_name="s")

    @functools.partial(
        pl.kernel,
        mesh=mesh,
        compiler_params=pltpu.CompilerParams(use_tc_tiling_on_sc=False),
        out_type=jax.ShapeDtypeStruct((2, _NP, d), jnp.float32),
        scratch_types=[
            pltpu.VMEM((_CHUNKS, _LANES), jnp.int32),
            pltpu.VMEM((_CHUNKS, _LANES), jnp.int32),
            pltpu.VMEM((_LANES, d), jnp.float32),
            pltpu.VMEM_SHARED((_NP, d), jnp.float32),
            pltpu.SemaphoreType.DMA,
        ],
    )
    def agg(tab_hbm, src_hbm, dst_hbm, zeros_hbm, out_hbm,
            src_v, dst_v, rows_v, acc_sh, sem):
        c = lax.axis_index("c")
        s = lax.axis_index("s")
        row0 = s * _ROWS_PER_TILE
        pltpu.sync_copy(zeros_hbm.at[pl.ds(row0, _ROWS_PER_TILE)],
                        acc_sh.at[pl.ds(row0, _ROWS_PER_TILE)])
        base = (c * 16 + s) * _CHUNKS
        pltpu.sync_copy(src_hbm.at[pl.ds(base, _CHUNKS)], src_v)
        pltpu.sync_copy(dst_hbm.at[pl.ds(base, _CHUNKS)], dst_v)
        plsc.subcore_barrier()

        def body(j, carry):
            pltpu.async_copy(tab_hbm.at[src_v.at[j]], rows_v, sem).wait()
            pltpu.sync_copy(rows_v, acc_sh.at[dst_v.at[j]], add=True)
            return carry

        lax.fori_loop(0, _CHUNKS, body, 0)
        plsc.subcore_barrier()
        pltpu.sync_copy(acc_sh.at[pl.ds(row0, _ROWS_PER_TILE)],
                        out_hbm.at[c].at[pl.ds(row0, _ROWS_PER_TILE)])

    return agg


_BLK = 1000


def _tc1_body(a0_ref, a1_ref, x_ref, ws0_ref, b0_ref, wn0_ref,
              ws1_ref, b1_ref, wn1_ref, p_ref, s_ref, deg_ref):
    ag = a0_ref[...] + a1_ref[...]
    deg = jnp.maximum(ag[:, _D_IN:_D_IN + 1], 1.0)
    aggn = ag[:, :_D_IN] / deg
    dn = (((1,), (1,)), ((), ()))
    h = lax.dot_general(x_ref[...], ws0_ref[...], dn) + b0_ref[...] + \
        lax.dot_general(aggn, wn0_ref[...], dn)
    h = jnp.maximum(h, 0.0)
    p_ref[...] = lax.dot_general(h, wn1_ref[...], dn)
    s_ref[...] = lax.dot_general(h, ws1_ref[...], dn) + b1_ref[...]
    deg_ref[...] = deg


def _tc2_body(s_ref, deg_ref, b0_ref, b1_ref, out_ref):
    z = s_ref[...] + (b0_ref[...] + b1_ref[...]) / deg_ref[...]
    m = jnp.max(z, axis=1, keepdims=True)
    zs = z - m
    out_ref[...] = zs - jnp.log(jnp.sum(jnp.exp(zs), axis=1, keepdims=True))


def kernel(features, edge_index, W_self0, b_self0, W_neigh0,
           W_self1, b_self1, W_neigh1):
    src = edge_index[0]
    dst = edge_index[1]
    pad = _EP - _E
    ar = jnp.arange(pad, dtype=jnp.int32)
    src_p = jnp.concatenate([src, (ar * 997) % _N]).reshape(-1, _LANES)
    dst_p = jnp.concatenate([dst, _N + (ar % _TRASH)]).reshape(-1, _LANES)

    tab0 = jnp.concatenate(
        [features,
         jnp.ones((_N, 1), jnp.float32),
         jnp.zeros((_N, 15), jnp.float32)], axis=1)
    d0 = _D_IN + 16
    zeros0 = jnp.zeros((_NP, d0), jnp.float32)

    agg0 = _make_sc_agg(d0)(tab0, src_p, dst_p, zeros0)

    n_blk = _N // _BLK
    full = lambda shp: pl.BlockSpec(shp, lambda i: (0,) * len(shp))
    row_blk = lambda d: pl.BlockSpec((_BLK, d), lambda i: (i, 0))
    p, s, deg = pl.pallas_call(
        _tc1_body,
        grid=(n_blk,),
        in_specs=[
            row_blk(d0), row_blk(d0), row_blk(_D_IN),
            full((_D_H, _D_IN)), full((_D_H,)), full((_D_H, _D_IN)),
            full((_N_CLS, _D_H)), full((_N_CLS,)), full((_N_CLS, _D_H)),
        ],
        out_specs=[row_blk(_N_CLS), row_blk(_N_CLS), row_blk(1)],
        out_shape=[
            jax.ShapeDtypeStruct((_N, _N_CLS), jnp.float32),
            jax.ShapeDtypeStruct((_N, _N_CLS), jnp.float32),
            jax.ShapeDtypeStruct((_N, 1), jnp.float32),
        ],
    )(agg0[0, :_N], agg0[1, :_N], features, W_self0, b_self0, W_neigh0,
      W_self1, b_self1, W_neigh1)

    zeros1 = jnp.zeros((_NP, _N_CLS), jnp.float32)
    agg1 = _make_sc_agg(_N_CLS)(p, src_p, dst_p, zeros1)

    out = pl.pallas_call(
        _tc2_body,
        grid=(n_blk,),
        in_specs=[row_blk(_N_CLS), row_blk(1), row_blk(_N_CLS),
                  row_blk(_N_CLS)],
        out_specs=row_blk(_N_CLS),
        out_shape=jax.ShapeDtypeStruct((_N, _N_CLS), jnp.float32),
    )(s, deg, agg1[0, :_N], agg1[1, :_N])
    return out

# --- scband reference (transcript-rebuilt; emitter-appended) ---
"""Pipeline reference for scband-sage-full-48704929136995 (READ-ONLY COPY).

The authoritative reference and input builder live on the scoring server;
editing this copy changes nothing except your own understanding.
"""

import jax, jax.numpy as jnp
import numpy as np

N = 10000
E = 320000
D_IN = 128
D_H = 128
N_CLS = 32

def _glorot(key, shape):
    fan_out, fan_in = shape
    s = jnp.sqrt(6.0 / (fan_in + fan_out))
    return jax.random.uniform(key, shape, dtype=jnp.float32, minval=-s, maxval=s)

def setup_inputs(seed: int = 0):
    key = jax.random.key(seed)
    ks = jax.random.split(key, 9)
    features = jax.random.normal(ks[0], (N, D_IN), dtype=jnp.float32)
    edge_index = jax.random.randint(ks[1], (2, E), 0, N, dtype=jnp.int32)
    return {
        'features': features,
        'edge_index': edge_index,
        'W_self0': _glorot(ks[2], (D_H, D_IN)),
        'b_self0': jnp.zeros((D_H,), dtype=jnp.float32),
        'W_neigh0': _glorot(ks[3], (D_H, D_IN)),
        'W_self1': _glorot(ks[4], (N_CLS, D_H)),
        'b_self1': jnp.zeros((N_CLS,), dtype=jnp.float32),
        'W_neigh1': _glorot(ks[5], (N_CLS, D_H)),
    }

def reference(features, edge_index, W_self0, b_self0, W_neigh0, W_self1, b_self1, W_neigh1):
    # DGL SAGEConv, aggregator_type='mean', feat_drop=0 (eval):
    #   h_neigh = mean_{src->dst} h_src ; rst = fc_self(h) + fc_neigh(h_neigh)
    src = edge_index[0]
    dst = edge_index[1]
    n = features.shape[0]
    deg = jax.ops.segment_sum(jnp.ones((src.shape[0],), dtype=jnp.float32), dst, num_segments=n)
    deg = jnp.clip(deg, 1.0)[:, None]

    def sage_layer(h, Ws, bs, Wn, act):
        msgs = h[src]                                         # gather over src nodes
        agg = jax.ops.segment_sum(msgs, dst, num_segments=n)  # scatter-add to dst
        h_neigh = agg / deg                                   # mean aggregation
        rst = h @ Ws.T + bs + h_neigh @ Wn.T
        if act:
            rst = jax.nn.relu(rst)
        return rst

    h = sage_layer(features, W_self0, b_self0, W_neigh0, True)
    h = sage_layer(h, W_self1, b_self1, W_neigh1, False)
    return jax.nn.log_softmax(h, axis=1)

if __name__ == "__main__":
    import jax
    _d = setup_inputs()
    print(jax.jit(kernel)(*tuple(_d.values())))

</pallas_src>

<mosaic_0001>
#map = affine_map<(d0, d1) -> (0, 0)>
#map1 = affine_map<(d0, d1) -> (0, 0, 0)>
module attributes {stable_mosaic.version = 14 : i64} {
  func.func @agg(%arg0: i32, %arg1: i32, %arg2: memref<10000x144xf32, #tpu.memory_space<hbm>>, %arg3: memref<2560x128xi32, #tpu.memory_space<hbm>>, %arg4: memref<2560x128xi32, #tpu.memory_space<hbm>>, %arg5: memref<10240x144xf32, #tpu.memory_space<hbm>>, %arg6: memref<2x10240x144xf32, #tpu.memory_space<hbm>>, %arg7: memref<80x128xi32, #tpu.memory_space<vmem>>, %arg8: memref<80x128xi32, #tpu.memory_space<vmem>>, %arg9: memref<128x144xf32, #tpu.memory_space<vmem>>, %arg10: memref<10240x144xf32, #tpu.memory_space<vmem_shared>>, %arg11: memref<!tpu.dma_semaphore, #tpu.memory_space<semaphore_mem>>) attributes {dimension_semantics = [#tpu.dimension_semantics<core_parallel>, #tpu.dimension_semantics<subcore_parallel>], iteration_bounds = array<i64: 2, 16>, scalar_prefetch = 0 : i64, scratch_operands = 5 : i64, tpu.core_type = #tpu.core_type<sc_vector_subcore>, window_params = [{transform_indices = #map}, {transform_indices = #map}, {transform_indices = #map}, {transform_indices = #map}, {transform_indices = #map1}]} {
    %mul3A = arith.constant 640 : i32
    %mul3A_0 = arith.muli %arg1, %mul3A : i32
    "tpu.region"() ({
      %run_scoped3A = tpu.sem_alloc : memref<!tpu.dma_semaphore, #tpu.memory_space<semaphore_mem>>
      %dma_start3A = arith.constant 0 : i32
      %dma_start3A_11 = tpu.memref_slice %arg10[%mul3A_0, %dma_start3A] : memref<10240x144xf32, #tpu.memory_space<vmem_shared>> -> memref<640x144xf32, #tpu.memory_space<vmem_shared>>
      %dma_start3A_12 = arith.constant 0 : i32
      %dma_start3A_13 = tpu.memref_slice %arg5[%mul3A_0, %dma_start3A_12] : memref<10240x144xf32, #tpu.memory_space<hbm>> -> memref<640x144xf32, #tpu.memory_space<hbm>>
      tpu.enqueue_dma source(%dma_start3A_13 : memref<640x144xf32, #tpu.memory_space<hbm>>) target(%dma_start3A_11 : memref<640x144xf32, #tpu.memory_space<vmem_shared>>) target_semaphore(%run_scoped3A : memref<!tpu.dma_semaphore, #tpu.memory_space<semaphore_mem>>)
      %dma_wait3A = arith.constant 0 : i32
      %dma_wait3A_14 = tpu.memref_slice %arg10[%mul3A_0, %dma_wait3A] : memref<10240x144xf32, #tpu.memory_space<vmem_shared>> -> memref<640x144xf32, #tpu.memory_space<vmem_shared>>
      %dma_wait3A_15 = arith.constant 0 : i32
      %dma_wait3A_16 = tpu.memref_slice %arg5[%mul3A_0, %dma_wait3A_15] : memref<10240x144xf32, #tpu.memory_space<hbm>> -> memref<640x144xf32, #tpu.memory_space<hbm>>
      tpu.wait_dma2 semaphore(%run_scoped3A : memref<!tpu.dma_semaphore, #tpu.memory_space<semaphore_mem>>) src(%dma_wait3A_16 : memref<640x144xf32, #tpu.memory_space<hbm>>) dst(%dma_wait3A_14 : memref<640x144xf32, #tpu.memory_space<vmem_shared>>)
      tpu.yield
    }) : () -> ()
    %mul3A_1 = arith.constant 16 : i32
    %mul3A_2 = arith.muli %arg0, %mul3A_1 : i32
    %add3A = arith.addi %mul3A_2, %arg1 : i32
    %mul3A_3 = arith.constant 80 : i32
    %mul3A_4 = arith.muli %add3A, %mul3A_3 : i32
    "tpu.region"() ({
      %run_scoped3A = tpu.sem_alloc : memref<!tpu.dma_semaphore, #tpu.memory_space<semaphore_mem>>
      %dma_start3A = arith.constant 0 : i32
      %dma_start3A_11 = tpu.memref_slice %arg3[%mul3A_4, %dma_start3A] : memref<2560x128xi32, #tpu.memory_space<hbm>> -> memref<80x128xi32, #tpu.memory_space<hbm>>
      %dma_start3A_12 = arith.constant 0 : i32
      %dma_start3A_13 = tpu.memref_slice %arg3[%mul3A_4, %dma_start3A_12] : memref<2560x128xi32, #tpu.memory_space<hbm>> -> memref<80x128xi32, #tpu.memory_space<hbm>>
      tpu.enqueue_dma source(%dma_start3A_13 : memref<80x128xi32, #tpu.memory_space<hbm>>) target(%arg7 : memref<80x128xi32, #tpu.memory_space<vmem>>) target_semaphore(%run_scoped3A : memref<!tpu.dma_semaphore, #tpu.memory_space<semaphore_mem>>)
      %dma_wait3A = arith.constant 0 : i32
      %dma_wait3A_14 = tpu.memref_slice %arg3[%mul3A_4, %dma_wait3A] : memref<2560x128xi32, #tpu.memory_space<hbm>> -> memref<80x128xi32, #tpu.memory_space<hbm>>
      %dma_wait3A_15 = arith.constant 0 : i32
      %dma_wait3A_16 = tpu.memref_slice %arg3[%mul3A_4, %dma_wait3A_15] : memref<2560x128xi32, #tpu.memory_space<hbm>> -> memref<80x128xi32, #tpu.memory_space<hbm>>
      tpu.wait_dma2 semaphore(%run_scoped3A : memref<!tpu.dma_semaphore, #tpu.memory_space<semaphore_mem>>) src(%dma_wait3A_16 : memref<80x128xi32, #tpu.memory_space<hbm>>) dst(%arg7 : memref<80x128xi32, #tpu.memory_space<vmem>>)
      tpu.yield
    }) : () -> ()
    "tpu.region"() ({
      %run_scoped3A = tpu.sem_alloc : memref<!tpu.dma_semaphore, #tpu.memory_space<semaphore_mem>>
      %dma_start3A = arith.constant 0 : i32
      %dma_start3A_11 = tpu.memref_slice %arg4[%mul3A_4, %dma_start3A] : memref<2560x128xi32, #tpu.memory_space<hbm>> -> memref<80x128xi32, #tpu.memory_space<hbm>>
      %dma_start3A_12 = arith.constant 0 : i32
      %dma_start3A_13 = tpu.memref_slice %arg4[%mul3A_4, %dma_start3A_12] : memref<2560x128xi32, #tpu.memory_space<hbm>> -> memref<80x128xi32, #tpu.memory_space<hbm>>
      tpu.enqueue_dma source(%dma_start3A_13 : memref<80x128xi32, #tpu.memory_space<hbm>>) target(%arg8 : memref<80x128xi32, #tpu.memory_space<vmem>>) target_semaphore(%run_scoped3A : memref<!tpu.dma_semaphore, #tpu.memory_space<semaphore_mem>>)
      %dma_wait3A = arith.constant 0 : i32
      %dma_wait3A_14 = tpu.memref_slice %arg4[%mul3A_4, %dma_wait3A] : memref<2560x128xi32, #tpu.memory_space<hbm>> -> memref<80x128xi32, #tpu.memory_space<hbm>>
      %dma_wait3A_15 = arith.constant 0 : i32
      %dma_wait3A_16 = tpu.memref_slice %arg4[%mul3A_4, %dma_wait3A_15] : memref<2560x128xi32, #tpu.memory_space<hbm>> -> memref<80x128xi32, #tpu.memory_space<hbm>>
      tpu.wait_dma2 semaphore(%run_scoped3A : memref<!tpu.dma_semaphore, #tpu.memory_space<semaphore_mem>>) src(%dma_wait3A_16 : memref<80x128xi32, #tpu.memory_space<hbm>>) dst(%arg8 : memref<80x128xi32, #tpu.memory_space<vmem>>)
      tpu.yield
    }) : () -> ()
    %barrier3A = arith.constant 0 : index
    tpu.barrier barrier_id(%barrier3A)
    %scan3A = arith.constant 0 : i32
    %scan3A_5 = arith.constant 0 : i32
    %scan3A_6 = arith.constant 80 : i32
    %scan3A_7 = arith.addi %scan3A_5, %scan3A_6 : i32
    %scan3A_8 = arith.constant 1 : i32
    scf.for %scan3A_11 = %scan3A_5 to %scan3A_7 step %scan3A_8  : i32 {
      %dma_start3A = arith.constant 0 : i32
      %dma_start3A_12 = tpu.memref_slice %arg7[%scan3A_11, %dma_start3A] : memref<80x128xi32, #tpu.memory_space<vmem>> -> memref<1x128xi32, #tpu.memory_space<vmem>>
      %dma_start3A_13 = tpu.memref_squeeze %dma_start3A_12 : memref<1x128xi32, #tpu.memory_space<vmem>> -> memref<128xi32, #tpu.memory_space<vmem>>
      %dma_start3A_14 = arith.constant 0 : i32
      %dma_start3A_15 = arith.constant 0 : i32
      %dma_start3A_16 = tpu.memref_slice %arg2[%dma_start3A_14, %dma_start3A_15] : memref<10000x144xf32, #tpu.memory_space<hbm>> -> memref<10000x144xf32, #tpu.memory_space<hbm>>
      tpu.enqueue_indirect_dma source(%dma_start3A_16 : memref<10000x144xf32, #tpu.memory_space<hbm>>) target(%arg9 : memref<128x144xf32, #tpu.memory_space<vmem>>) offsets(%dma_start3A_13 : memref<128xi32, #tpu.memory_space<vmem>>) semaphore(%arg11 : memref<!tpu.dma_semaphore, #tpu.memory_space<semaphore_mem>>)
      %dma_wait3A = arith.constant 0 : i32
      %dma_wait3A_17 = tpu.memref_slice %arg7[%scan3A_11, %dma_wait3A] : memref<80x128xi32, #tpu.memory_space<vmem>> -> memref<1x128xi32, #tpu.memory_space<vmem>>
      %dma_wait3A_18 = tpu.memref_squeeze %dma_wait3A_17 : memref<1x128xi32, #tpu.memory_space<vmem>> -> memref<128xi32, #tpu.memory_space<vmem>>
      %dma_wait3A_19 = arith.constant 0 : i32
      %dma_wait3A_20 = arith.constant 0 : i32
      %dma_wait3A_21 = tpu.memref_slice %arg2[%dma_wait3A_19, %dma_wait3A_20] : memref<10000x144xf32, #tpu.memory_space<hbm>> -> memref<10000x144xf32, #tpu.memory_space<hbm>>
      tpu.wait_indirect_dma semaphore(%arg11 : memref<!tpu.dma_semaphore, #tpu.memory_space<semaphore_mem>>) src(%dma_wait3A_21 : memref<10000x144xf32, #tpu.memory_space<hbm>>) dst(%arg9 : memref<128x144xf32, #tpu.memory_space<vmem>>)
      "tpu.region"() ({
        %run_scoped3A = tpu.sem_alloc : memref<!tpu.dma_semaphore, #tpu.memory_space<semaphore_mem>>
        %dma_start3A_22 = arith.constant 0 : i32
        %dma_start3A_23 = tpu.memref_slice %arg8[%scan3A_11, %dma_start3A_22] : memref<80x128xi32, #tpu.memory_space<vmem>> -> memref<1x128xi32, #tpu.memory_space<vmem>>
        %dma_start3A_24 = tpu.memref_squeeze %dma_start3A_23 : memref<1x128xi32, #tpu.memory_space<vmem>> -> memref<128xi32, #tpu.memory_space<vmem>>
        %dma_start3A_25 = arith.constant 0 : i32
        %dma_start3A_26 = arith.constant 0 : i32
        %dma_start3A_27 = tpu.memref_slice %arg10[%dma_start3A_25, %dma_start3A_26] : memref<10240x144xf32, #tpu.memory_space<vmem_shared>> -> memref<10240x144xf32, #tpu.memory_space<vmem_shared>>
        tpu.enqueue_indirect_dma source(%arg9 : memref<128x144xf32, #tpu.memory_space<vmem>>) target(%dma_start3A_27 : memref<10240x144xf32, #tpu.memory_space<vmem_shared>>) offsets(%dma_start3A_24 : memref<128xi32, #tpu.memory_space<vmem>>) semaphore(%run_scoped3A : memref<!tpu.dma_semaphore, #tpu.memory_space<semaphore_mem>>) {add = true}
        %dma_wait3A_28 = arith.constant 0 : i32
        %dma_wait3A_29 = tpu.memref_slice %arg8[%scan3A_11, %dma_wait3A_28] : memref<80x128xi32, #tpu.memory_space<vmem>> -> memref<1x128xi32, #tpu.memory_space<vmem>>
        %dma_wait3A_30 = tpu.memref_squeeze %dma_wait3A_29 : memref<1x128xi32, #tpu.memory_space<vmem>> -> memref<128xi32, #tpu.memory_space<vmem>>
        %dma_wait3A_31 = arith.constant 0 : i32
        %dma_wait3A_32 = arith.constant 0 : i32
        %dma_wait3A_33 = tpu.memref_slice %arg10[%dma_wait3A_31, %dma_wait3A_32] : memref<10240x144xf32, #tpu.memory_space<vmem_shared>> -> memref<10240x144xf32, #tpu.memory_space<vmem_shared>>
        tpu.wait_indirect_dma semaphore(%run_scoped3A : memref<!tpu.dma_semaphore, #tpu.memory_space<semaphore_mem>>) src(%arg9 : memref<128x144xf32, #tpu.memory_space<vmem>>) dst(%dma_wait3A_33 : memref<10240x144xf32, #tpu.memory_space<vmem_shared>>)
        tpu.yield
      }) : () -> ()
    }
    %scan3A_9 = arith.constant 80 : i32
    %barrier3A_10 = arith.constant 0 : index
    tpu.barrier barrier_id(%barrier3A_10)
    "tpu.region"() ({
      %run_scoped3A = tpu.sem_alloc : memref<!tpu.dma_semaphore, #tpu.memory_space<semaphore_mem>>
      %dma_start3A = arith.constant 0 : i32
      %dma_start3A_11 = arith.constant 0 : i32
      %dma_start3A_12 = tpu.memref_slice %arg6[%arg0, %dma_start3A, %dma_start3A_11] : memref<2x10240x144xf32, #tpu.memory_space<hbm>> -> memref<1x10240x144xf32, #tpu.memory_space<hbm>>
      %dma_start3A_13 = tpu.memref_squeeze %dma_start3A_12 : memref<1x10240x144xf32, #tpu.memory_space<hbm>> -> memref<10240x144xf32, #tpu.memory_space<hbm>>
      %dma_start3A_14 = arith.constant 0 : i32
      %dma_start3A_15 = tpu.memref_slice %dma_start3A_13[%mul3A_0, %dma_start3A_14] : memref<10240x144xf32, #tpu.memory_space<hbm>> -> memref<640x144xf32, #tpu.memory_space<hbm>>
      %dma_start3A_16 = arith.constant 0 : i32
      %dma_start3A_17 = tpu.memref_slice %arg10[%mul3A_0, %dma_start3A_16] : memref<10240x144xf32, #tpu.memory_space<vmem_shared>> -> memref<640x144xf32, #tpu.memory_space<vmem_shared>>
      tpu.enqueue_dma source(%dma_start3A_17 : memref<640x144xf32, #tpu.memory_space<vmem_shared>>) target(%dma_start3A_15 : memref<640x144xf32, #tpu.memory_space<hbm>>) target_semaphore(%run_scoped3A : memref<!tpu.dma_semaphore, #tpu.memory_space<semaphore_mem>>)
      %dma_wait3A = arith.constant 0 : i32
      %dma_wait3A_18 = arith.constant 0 : i32
      %dma_wait3A_19 = tpu.memref_slice %arg6[%arg0, %dma_wait3A, %dma_wait3A_18] : memref<2x10240x144xf32, #tpu.memory_space<hbm>> -> memref<1x10240x144xf32, #tpu.memory_space<hbm>>
      %dma_wait3A_20 = tpu.memref_squeeze %dma_wait3A_19 : memref<1x10240x144xf32, #tpu.memory_space<hbm>> -> memref<10240x144xf32, #tpu.memory_space<hbm>>
      %dma_wait3A_21 = arith.constant 0 : i32
      %dma_wait3A_22 = tpu.memref_slice %dma_wait3A_20[%mul3A_0, %dma_wait3A_21] : memref<10240x144xf32, #tpu.memory_space<hbm>> -> memref<640x144xf32, #tpu.memory_space<hbm>>
      %dma_wait3A_23 = arith.constant 0 : i32
      %dma_wait3A_24 = tpu.memref_slice %arg10[%mul3A_0, %dma_wait3A_23] : memref<10240x144xf32, #tpu.memory_space<vmem_shared>> -> memref<640x144xf32, #tpu.memory_space<vmem_shared>>
      tpu.wait_dma2 semaphore(%run_scoped3A : memref<!tpu.dma_semaphore, #tpu.memory_space<semaphore_mem>>) src(%dma_wait3A_24 : memref<640x144xf32, #tpu.memory_space<vmem_shared>>) dst(%dma_wait3A_22 : memref<640x144xf32, #tpu.memory_space<hbm>>)
      tpu.yield
    }) : () -> ()
    return
  }
}

#map = affine_map<(d0, d1) -> (0, 0)>
#map1 = affine_map<(d0, d1) -> (0, 0, 0)>
module attributes {stable_mosaic.version = 14 : i64} {
  func.func @agg(%arg0: i32, %arg1: i32, %arg2: memref<10000x32xf32, #tpu.memory_space<hbm>>, %arg3: memref<2560x128xi32, #tpu.memory_space<hbm>>, %arg4: memref<2560x128xi32, #tpu.memory_space<hbm>>, %arg5: memref<10240x32xf32, #tpu.memory_space<hbm>>, %arg6: memref<2x10240x32xf32, #tpu.memory_space<hbm>>, %arg7: memref<80x128xi32, #tpu.memory_space<vmem>>, %arg8: memref<80x128xi32, #tpu.memory_space<vmem>>, %arg9: memref<128x32xf32, #tpu.memory_space<vmem>>, %arg10: memref<10240x32xf32, #tpu.memory_space<vmem_shared>>, %arg11: memref<!tpu.dma_semaphore, #tpu.memory_space<semaphore_mem>>) attributes {dimension_semantics = [#tpu.dimension_semantics<core_parallel>, #tpu.dimension_semantics<subcore_parallel>], iteration_bounds = array<i64: 2, 16>, scalar_prefetch = 0 : i64, scratch_operands = 5 : i64, tpu.core_type = #tpu.core_type<sc_vector_subcore>, window_params = [{transform_indices = #map}, {transform_indices = #map}, {transform_indices = #map}, {transform_indices = #map}, {transform_indices = #map1}]} {
    %mul3A = arith.constant 640 : i32
    %mul3A_0 = arith.muli %arg1, %mul3A : i32
    "tpu.region"() ({
      %run_scoped3A = tpu.sem_alloc : memref<!tpu.dma_semaphore, #tpu.memory_space<semaphore_mem>>
      %dma_start3A = arith.constant 0 : i32
      %dma_start3A_11 = tpu.memref_slice %arg10[%mul3A_0, %dma_start3A] : memref<10240x32xf32, #tpu.memory_space<vmem_shared>> -> memref<640x32xf32, #tpu.memory_space<vmem_shared>>
      %dma_start3A_12 = arith.constant 0 : i32
      %dma_start3A_13 = tpu.memref_slice %arg5[%mul3A_0, %dma_start3A_12] : memref<10240x32xf32, #tpu.memory_space<hbm>> -> memref<640x32xf32, #tpu.memory_space<hbm>>
      tpu.enqueue_dma source(%dma_start3A_13 : memref<640x32xf32, #tpu.memory_space<hbm>>) target(%dma_start3A_11 : memref<640x32xf32, #tpu.memory_space<vmem_shared>>) target_semaphore(%run_scoped3A : memref<!tpu.dma_semaphore, #tpu.memory_space<semaphore_mem>>)
      %dma_wait3A = arith.constant 0 : i32
      %dma_wait3A_14 = tpu.memref_slice %arg10[%mul3A_0, %dma_wait3A] : memref<10240x32xf32, #tpu.memory_space<vmem_shared>> -> memref<640x32xf32, #tpu.memory_space<vmem_shared>>
      %dma_wait3A_15 = arith.constant 0 : i32
      %dma_wait3A_16 = tpu.memref_slice %arg5[%mul3A_0, %dma_wait3A_15] : memref<10240x32xf32, #tpu.memory_space<hbm>> -> memref<640x32xf32, #tpu.memory_space<hbm>>
      tpu.wait_dma2 semaphore(%run_scoped3A : memref<!tpu.dma_semaphore, #tpu.memory_space<semaphore_mem>>) src(%dma_wait3A_16 : memref<640x32xf32, #tpu.memory_space<hbm>>) dst(%dma_wait3A_14 : memref<640x32xf32, #tpu.memory_space<vmem_shared>>)
      tpu.yield
    }) : () -> ()
    %mul3A_1 = arith.constant 16 : i32
    %mul3A_2 = arith.muli %arg0, %mul3A_1 : i32
    %add3A = arith.addi %mul3A_2, %arg1 : i32
    %mul3A_3 = arith.constant 80 : i32
    %mul3A_4 = arith.muli %add3A, %mul3A_3 : i32
    "tpu.region"() ({
      %run_scoped3A = tpu.sem_alloc : memref<!tpu.dma_semaphore, #tpu.memory_space<semaphore_mem>>
      %dma_start3A = arith.constant 0 : i32
      %dma_start3A_11 = tpu.memref_slice %arg3[%mul3A_4, %dma_start3A] : memref<2560x128xi32, #tpu.memory_space<hbm>> -> memref<80x128xi32, #tpu.memory_space<hbm>>
      %dma_start3A_12 = arith.constant 0 : i32
      %dma_start3A_13 = tpu.memref_slice %arg3[%mul3A_4, %dma_start3A_12] : memref<2560x128xi32, #tpu.memory_space<hbm>> -> memref<80x128xi32, #tpu.memory_space<hbm>>
      tpu.enqueue_dma source(%dma_start3A_13 : memref<80x128xi32, #tpu.memory_space<hbm>>) target(%arg7 : memref<80x128xi32, #tpu.memory_space<vmem>>) target_semaphore(%run_scoped3A : memref<!tpu.dma_semaphore, #tpu.memory_space<semaphore_mem>>)
      %dma_wait3A = arith.constant 0 : i32
      %dma_wait3A_14 = tpu.memref_slice %arg3[%mul3A_4, %dma_wait3A] : memref<2560x128xi32, #tpu.memory_space<hbm>> -> memref<80x128xi32, #tpu.memory_space<hbm>>
      %dma_wait3A_15 = arith.constant 0 : i32
      %dma_wait3A_16 = tpu.memref_slice %arg3[%mul3A_4, %dma_wait3A_15] : memref<2560x128xi32, #tpu.memory_space<hbm>> -> memref<80x128xi32, #tpu.memory_space<hbm>>
      tpu.wait_dma2 semaphore(%run_scoped3A : memref<!tpu.dma_semaphore, #tpu.memory_space<semaphore_mem>>) src(%dma_wait3A_16 : memref<80x128xi32, #tpu.memory_space<hbm>>) dst(%arg7 : memref<80x128xi32, #tpu.memory_space<vmem>>)
      tpu.yield
    }) : () -> ()
    "tpu.region"() ({
      %run_scoped3A = tpu.sem_alloc : memref<!tpu.dma_semaphore, #tpu.memory_space<semaphore_mem>>
      %dma_start3A = arith.constant 0 : i32
      %dma_start3A_11 = tpu.memref_slice %arg4[%mul3A_4, %dma_start3A] : memref<2560x128xi32, #tpu.memory_space<hbm>> -> memref<80x128xi32, #tpu.memory_space<hbm>>
      %dma_start3A_12 = arith.constant 0 : i32
      %dma_start3A_13 = tpu.memref_slice %arg4[%mul3A_4, %dma_start3A_12] : memref<2560x128xi32, #tpu.memory_space<hbm>> -> memref<80x128xi32, #tpu.memory_space<hbm>>
      tpu.enqueue_dma source(%dma_start3A_13 : memref<80x128xi32, #tpu.memory_space<hbm>>) target(%arg8 : memref<80x128xi32, #tpu.memory_space<vmem>>) target_semaphore(%run_scoped3A : memref<!tpu.dma_semaphore, #tpu.memory_space<semaphore_mem>>)
      %dma_wait3A = arith.constant 0 : i32
      %dma_wait3A_14 = tpu.memref_slice %arg4[%mul3A_4, %dma_wait3A] : memref<2560x128xi32, #tpu.memory_space<hbm>> -> memref<80x128xi32, #tpu.memory_space<hbm>>
      %dma_wait3A_15 = arith.constant 0 : i32
      %dma_wait3A_16 = tpu.memref_slice %arg4[%mul3A_4, %dma_wait3A_15] : memref<2560x128xi32, #tpu.memory_space<hbm>> -> memref<80x128xi32, #tpu.memory_space<hbm>>
      tpu.wait_dma2 semaphore(%run_scoped3A : memref<!tpu.dma_semaphore, #tpu.memory_space<semaphore_mem>>) src(%dma_wait3A_16 : memref<80x128xi32, #tpu.memory_space<hbm>>) dst(%arg8 : memref<80x128xi32, #tpu.memory_space<vmem>>)
      tpu.yield
    }) : () -> ()
    %barrier3A = arith.constant 0 : index
    tpu.barrier barrier_id(%barrier3A)
    %scan3A = arith.constant 0 : i32
    %scan3A_5 = arith.constant 0 : i32
    %scan3A_6 = arith.constant 80 : i32
    %scan3A_7 = arith.addi %scan3A_5, %scan3A_6 : i32
    %scan3A_8 = arith.constant 1 : i32
    scf.for %scan3A_11 = %scan3A_5 to %scan3A_7 step %scan3A_8  : i32 {
      %dma_start3A = arith.constant 0 : i32
      %dma_start3A_12 = tpu.memref_slice %arg7[%scan3A_11, %dma_start3A] : memref<80x128xi32, #tpu.memory_space<vmem>> -> memref<1x128xi32, #tpu.memory_space<vmem>>
      %dma_start3A_13 = tpu.memref_squeeze %dma_start3A_12 : memref<1x128xi32, #tpu.memory_space<vmem>> -> memref<128xi32, #tpu.memory_space<vmem>>
      %dma_start3A_14 = arith.constant 0 : i32
      %dma_start3A_15 = arith.constant 0 : i32
      %dma_start3A_16 = tpu.memref_slice %arg2[%dma_start3A_14, %dma_start3A_15] : memref<10000x32xf32, #tpu.memory_space<hbm>> -> memref<10000x32xf32, #tpu.memory_space<hbm>>
      tpu.enqueue_indirect_dma source(%dma_start3A_16 : memref<10000x32xf32, #tpu.memory_space<hbm>>) target(%arg9 : memref<128x32xf32, #tpu.memory_space<vmem>>) offsets(%dma_start3A_13 : memref<128xi32, #tpu.memory_space<vmem>>) semaphore(%arg11 : memref<!tpu.dma_semaphore, #tpu.memory_space<semaphore_mem>>)
      %dma_wait3A = arith.constant 0 : i32
      %dma_wait3A_17 = tpu.memref_slice %arg7[%scan3A_11, %dma_wait3A] : memref<80x128xi32, #tpu.memory_space<vmem>> -> memref<1x128xi32, #tpu.memory_space<vmem>>
      %dma_wait3A_18 = tpu.memref_squeeze %dma_wait3A_17 : memref<1x128xi32, #tpu.memory_space<vmem>> -> memref<128xi32, #tpu.memory_space<vmem>>
      %dma_wait3A_19 = arith.constant 0 : i32
      %dma_wait3A_20 = arith.constant 0 : i32
      %dma_wait3A_21 = tpu.memref_slice %arg2[%dma_wait3A_19, %dma_wait3A_20] : memref<10000x32xf32, #tpu.memory_space<hbm>> -> memref<10000x32xf32, #tpu.memory_space<hbm>>
      tpu.wait_indirect_dma semaphore(%arg11 : memref<!tpu.dma_semaphore, #tpu.memory_space<semaphore_mem>>) src(%dma_wait3A_21 : memref<10000x32xf32, #tpu.memory_space<hbm>>) dst(%arg9 : memref<128x32xf32, #tpu.memory_space<vmem>>)
      "tpu.region"() ({
        %run_scoped3A = tpu.sem_alloc : memref<!tpu.dma_semaphore, #tpu.memory_space<semaphore_mem>>
        %dma_start3A_22 = arith.constant 0 : i32
        %dma_start3A_23 = tpu.memref_slice %arg8[%scan3A_11, %dma_start3A_22] : memref<80x128xi32, #tpu.memory_space<vmem>> -> memref<1x128xi32, #tpu.memory_space<vmem>>
        %dma_start3A_24 = tpu.memref_squeeze %dma_start3A_23 : memref<1x128xi32, #tpu.memory_space<vmem>> -> memref<128xi32, #tpu.memory_space<vmem>>
        %dma_start3A_25 = arith.constant 0 : i32
        %dma_start3A_26 = arith.constant 0 : i32
        %dma_start3A_27 = tpu.memref_slice %arg10[%dma_start3A_25, %dma_start3A_26] : memref<10240x32xf32, #tpu.memory_space<vmem_shared>> -> memref<10240x32xf32, #tpu.memory_space<vmem_shared>>
        tpu.enqueue_indirect_dma source(%arg9 : memref<128x32xf32, #tpu.memory_space<vmem>>) target(%dma_start3A_27 : memref<10240x32xf32, #tpu.memory_space<vmem_shared>>) offsets(%dma_start3A_24 : memref<128xi32, #tpu.memory_space<vmem>>) semaphore(%run_scoped3A : memref<!tpu.dma_semaphore, #tpu.memory_space<semaphore_mem>>) {add = true}
        %dma_wait3A_28 = arith.constant 0 : i32
        %dma_wait3A_29 = tpu.memref_slice %arg8[%scan3A_11, %dma_wait3A_28] : memref<80x128xi32, #tpu.memory_space<vmem>> -> memref<1x128xi32, #tpu.memory_space<vmem>>
        %dma_wait3A_30 = tpu.memref_squeeze %dma_wait3A_29 : memref<1x128xi32, #tpu.memory_space<vmem>> -> memref<128xi32, #tpu.memory_space<vmem>>
        %dma_wait3A_31 = arith.constant 0 : i32
        %dma_wait3A_32 = arith.constant 0 : i32
        %dma_wait3A_33 = tpu.memref_slice %arg10[%dma_wait3A_31, %dma_wait3A_32] : memref<10240x32xf32, #tpu.memory_space<vmem_shared>> -> memref<10240x32xf32, #tpu.memory_space<vmem_shared>>
        tpu.wait_indirect_dma semaphore(%run_scoped3A : memref<!tpu.dma_semaphore, #tpu.memory_space<semaphore_mem>>) src(%arg9 : memref<128x32xf32, #tpu.memory_space<vmem>>) dst(%dma_wait3A_33 : memref<10240x32xf32, #tpu.memory_space<vmem_shared>>)
        tpu.yield
      }) : () -> ()
    }
    %scan3A_9 = arith.constant 80 : i32
    %barrier3A_10 = arith.constant 0 : index
    tpu.barrier barrier_id(%barrier3A_10)
    "tpu.region"() ({
      %run_scoped3A = tpu.sem_alloc : memref<!tpu.dma_semaphore, #tpu.memory_space<semaphore_mem>>
      %dma_start3A = arith.constant 0 : i32
      %dma_start3A_11 = arith.constant 0 : i32
      %dma_start3A_12 = tpu.memref_slice %arg6[%arg0, %dma_start3A, %dma_start3A_11] : memref<2x10240x32xf32, #tpu.memory_space<hbm>> -> memref<1x10240x32xf32, #tpu.memory_space<hbm>>
      %dma_start3A_13 = tpu.memref_squeeze %dma_start3A_12 : memref<1x10240x32xf32, #tpu.memory_space<hbm>> -> memref<10240x32xf32, #tpu.memory_space<hbm>>
      %dma_start3A_14 = arith.constant 0 : i32
      %dma_start3A_15 = tpu.memref_slice %dma_start3A_13[%mul3A_0, %dma_start3A_14] : memref<10240x32xf32, #tpu.memory_space<hbm>> -> memref<640x32xf32, #tpu.memory_space<hbm>>
      %dma_start3A_16 = arith.constant 0 : i32
      %dma_start3A_17 = tpu.memref_slice %arg10[%mul3A_0, %dma_start3A_16] : memref<10240x32xf32, #tpu.memory_space<vmem_shared>> -> memref<640x32xf32, #tpu.memory_space<vmem_shared>>
      tpu.enqueue_dma source(%dma_start3A_17 : memref<640x32xf32, #tpu.memory_space<vmem_shared>>) target(%dma_start3A_15 : memref<640x32xf32, #tpu.memory_space<hbm>>) target_semaphore(%run_scoped3A : memref<!tpu.dma_semaphore, #tpu.memory_space<semaphore_mem>>)
      %dma_wait3A = arith.constant 0 : i32
      %dma_wait3A_18 = arith.constant 0 : i32
      %dma_wait3A_19 = tpu.memref_slice %arg6[%arg0, %dma_wait3A, %dma_wait3A_18] : memref<2x10240x32xf32, #tpu.memory_space<hbm>> -> memref<1x10240x32xf32, #tpu.memory_space<hbm>>
      %dma_wait3A_20 = tpu.memref_squeeze %dma_wait3A_19 : memref<1x10240x32xf32, #tpu.memory_space<hbm>> -> memref<10240x32xf32, #tpu.memory_space<hbm>>
      %dma_wait3A_21 = arith.constant 0 : i32
      %dma_wait3A_22 = tpu.memref_slice %dma_wait3A_20[%mul3A_0, %dma_wait3A_21] : memref<10240x32xf32, #tpu.memory_space<hbm>> -> memref<640x32xf32, #tpu.memory_space<hbm>>
      %dma_wait3A_23 = arith.constant 0 : i32
      %dma_wait3A_24 = tpu.memref_slice %arg10[%mul3A_0, %dma_wait3A_23] : memref<10240x32xf32, #tpu.memory_space<vmem_shared>> -> memref<640x32xf32, #tpu.memory_space<vmem_shared>>
      tpu.wait_dma2 semaphore(%run_scoped3A : memref<!tpu.dma_semaphore, #tpu.memory_space<semaphore_mem>>) src(%dma_wait3A_24 : memref<640x32xf32, #tpu.memory_space<vmem_shared>>) dst(%dma_wait3A_22 : memref<640x32xf32, #tpu.memory_space<hbm>>)
      tpu.yield
    }) : () -> ()
    return
  }
}

module attributes {stable_mosaic.version = 14 : i64} {
  func.func @_tc1_body(%arg0: i32, %arg1: memref<1000x144xf32, #tpu.memory_space<vmem>>, %arg2: memref<1000x144xf32, #tpu.memory_space<vmem>>, %arg3: memref<1000x128xf32, #tpu.memory_space<vmem>>, %arg4: memref<128x128xf32, #tpu.memory_space<vmem>>, %arg5: memref<128xf32, #tpu.memory_space<vmem>>, %arg6: memref<128x128xf32, #tpu.memory_space<vmem>>, %arg7: memref<32x128xf32, #tpu.memory_space<vmem>>, %arg8: memref<32xf32, #tpu.memory_space<vmem>>, %arg9: memref<32x128xf32, #tpu.memory_space<vmem>>, %arg10: memref<1000x32xf32, #tpu.memory_space<vmem>>, %arg11: memref<1000x32xf32, #tpu.memory_space<vmem>>, %arg12: memref<1000x1xf32, #tpu.memory_space<vmem>>) attributes {dimension_semantics = [#tpu.dimension_semantics<arbitrary>], iteration_bounds = array<i64: 10>, scalar_prefetch = 0 : i64, scratch_operands = 0 : i64, tpu.core_type = #tpu.core_type<tc>, window_params = [{transform_indices = @transform_0, window_bounds = array<i64: 1000, 144>}, {transform_indices = @transform_1, window_bounds = array<i64: 1000, 144>}, {transform_indices = @transform_2, window_bounds = array<i64: 1000, 128>}, {pipeline_mode = #tpu.pipeline_mode<synchronous>, transform_indices = @transform_3, window_bounds = array<i64: 128, 128>}, {pipeline_mode = #tpu.pipeline_mode<synchronous>, transform_indices = @transform_4, window_bounds = array<i64: 128>}, {pipeline_mode = #tpu.pipeline_mode<synchronous>, transform_indices = @transform_5, window_bounds = array<i64: 128, 128>}, {pipeline_mode = #tpu.pipeline_mode<synchronous>, transform_indices = @transform_6, window_bounds = array<i64: 32, 128>}, {pipeline_mode = #tpu.pipeline_mode<synchronous>, transform_indices = @transform_7, window_bounds = array<i64: 32>}, {pipeline_mode = #tpu.pipeline_mode<synchronous>, transform_indices = @transform_8, window_bounds = array<i64: 32, 128>}, {transform_indices = @transform_9, window_bounds = array<i64: 1000, 32>}, {transform_indices = @transform_10, window_bounds = array<i64: 1000, 32>}, {transform_indices = @transform_11, window_bounds = array<i64: 1000, 1>}]} {
    %get3A = arith.constant 0 : index
    %get3A_0 = arith.constant 0 : index
    %get3A_1 = vector.load %arg1[%get3A, %get3A_0] : memref<1000x144xf32, #tpu.memory_space<vmem>>, vector<1000x144xf32>
    %get3A_2 = arith.constant 0 : index
    %get3A_3 = arith.constant 0 : index
    %get3A_4 = vector.load %arg2[%get3A_2, %get3A_3] : memref<1000x144xf32, #tpu.memory_space<vmem>>, vector<1000x144xf32>
    %add3A = arith.addf %get3A_1, %get3A_4 : vector<1000x144xf32>
    %slice3A = vector.extract_strided_slice %add3A {offsets = [0, 128], sizes = [1000, 1], strides = [1, 1]} : vector<1000x144xf32> to vector<1000x1xf32>
    %max3A = arith.constant 1.000000e+00 : f32
    %max3A_5 = vector.broadcast %max3A : f32 to vector<1000x1xf32>
    %max3A_6 = arith.maximumf %slice3A, %max3A_5 : vector<1000x1xf32>
    %slice3A_7 = vector.extract_strided_slice %add3A {offsets = [0, 0], sizes = [1000, 128], strides = [1, 1]} : vector<1000x144xf32> to vector<1000x128xf32>
    %div3A = vector.broadcast %max3A_6 : vector<1000x1xf32> to vector<1000x128xf32>
    %div3A_8 = arith.divf %slice3A_7, %div3A : vector<1000x128xf32>
    %get3A_9 = arith.constant 0 : index
    %get3A_10 = arith.constant 0 : index
    %get3A_11 = vector.load %arg3[%get3A_9, %get3A_10] : memref<1000x128xf32, #tpu.memory_space<vmem>>, vector<1000x128xf32>
    %get3A_12 = arith.constant 0 : index
    %get3A_13 = arith.constant 0 : index
    %get3A_14 = vector.load %arg4[%get3A_12, %get3A_13] : memref<128x128xf32, #tpu.memory_space<vmem>>, vector<128x128xf32>
    %dot_general3A = arith.constant dense<0.000000e+00> : vector<1000x128xf32>
    %dot_general3A_15 = tpu.matmul %get3A_11, %get3A_14, %dot_general3A {dimension_numbers = #tpu.dot_dimension_numbers<[1], [1], [0], [0], [0, 0, 1, 0], [], []>, transpose_lhs_hint = false} : vector<1000x128xf32>, vector<128x128xf32>, vector<1000x128xf32> -> vector<1000x128xf32>
    %get3A_16 = arith.constant 0 : index
    %get3A_17 = vector.load %arg5[%get3A_16] : memref<128xf32, #tpu.memory_space<vmem>>, vector<128xf32>
    %broadcast_in_dim3A = vector.shape_cast %get3A_17 : vector<128xf32> to vector<1x128xf32>
    %add3A_18 = vector.broadcast %broadcast_in_dim3A : vector<1x128xf32> to vector<1000x128xf32>
    %add3A_19 = arith.addf %dot_general3A_15, %add3A_18 : vector<1000x128xf32>
    %get3A_20 = arith.constant 0 : index
    %get3A_21 = arith.constant 0 : index
    %get3A_22 = vector.load %arg6[%get3A_20, %get3A_21] : memref<128x128xf32, #tpu.memory_space<vmem>>, vector<128x128xf32>
    %dot_general3A_23 = arith.constant dense<0.000000e+00> : vector<1000x128xf32>
    %dot_general3A_24 = tpu.matmul %div3A_8, %get3A_22, %dot_general3A_23 {dimension_numbers = #tpu.dot_dimension_numbers<[1], [1], [0], [0], [0, 0, 1, 0], [], []>, transpose_lhs_hint = false} : vector<1000x128xf32>, vector<128x128xf32>, vector<1000x128xf32> -> vector<1000x128xf32>
    %add3A_25 = arith.addf %add3A_19, %dot_general3A_24 : vector<1000x128xf32>
    %max3A_26 = arith.constant 0.000000e+00 : f32
    %max3A_27 = vector.broadcast %max3A_26 : f32 to vector<1000x128xf32>
    %max3A_28 = arith.maximumf %add3A_25, %max3A_27 : vector<1000x128xf32>
    %get3A_29 = arith.constant 0 : index
    %get3A_30 = arith.constant 0 : index
    %get3A_31 = vector.load %arg9[%get3A_29, %get3A_30] : memref<32x128xf32, #tpu.memory_space<vmem>>, vector<32x128xf32>
    %dot_general3A_32 = arith.constant dense<0.000000e+00> : vector<1000x32xf32>
    %dot_general3A_33 = tpu.matmul %max3A_28, %get3A_31, %dot_general3A_32 {dimension_numbers = #tpu.dot_dimension_numbers<[1], [1], [0], [0], [0, 0, 1, 0], [], []>, transpose_lhs_hint = false} : vector<1000x128xf32>, vector<32x128xf32>, vector<1000x32xf32> -> vector<1000x32xf32>
    %swap3A = arith.constant 0 : index
    %swap3A_34 = arith.constant 0 : index
    %swap3A_35 = vector.load %arg10[%swap3A, %swap3A_34] : memref<1000x32xf32, #tpu.memory_space<vmem>>, vector<1000x32xf32>
    tpu.vector_store %arg10[%swap3A, %swap3A_34], %dot_general3A_33 {strides = array<i32>} : memref<1000x32xf32, #tpu.memory_space<vmem>>, vector<1000x32xf32>,
    %get3A_36 = arith.constant 0 : index
    %get3A_37 = arith.constant 0 : index
    %get3A_38 = vector.load %arg7[%get3A_36, %get3A_37] : memref<32x128xf32, #tpu.memory_space<vmem>>, vector<32x128xf32>
    %dot_general3A_39 = arith.constant dense<0.000000e+00> : vector<1000x32xf32>
    %dot_general3A_40 = tpu.matmul %max3A_28, %get3A_38, %dot_general3A_39 {dimension_numbers = #tpu.dot_dimension_numbers<[1], [1], [0], [0], [0, 0, 1, 0], [], []>, transpose_lhs_hint = false} : vector<1000x128xf32>, vector<32x128xf32>, vector<1000x32xf32> -> vector<1000x32xf32>
    %get3A_41 = arith.constant 0 : index
    %get3A_42 = vector.load %arg8[%get3A_41] : memref<32xf32, #tpu.memory_space<vmem>>, vector<32xf32>
    %broadcast_in_dim3A_43 = vector.shape_cast %get3A_42 : vector<32xf32> to vector<1x32xf32>
    %add3A_44 = vector.broadcast %broadcast_in_dim3A_43 : vector<1x32xf32> to vector<1000x32xf32>
    %add3A_45 = arith.addf %dot_general3A_40, %add3A_44 : vector<1000x32xf32>
    %swap3A_46 = arith.constant 0 : index
    %swap3A_47 = arith.constant 0 : index
    %swap3A_48 = vector.load %arg11[%swap3A_46, %swap3A_47] : memref<1000x32xf32, #tpu.memory_space<vmem>>, vector<1000x32xf32>
    tpu.vector_store %arg11[%swap3A_46, %swap3A_47], %add3A_45 {strides = array<i32>} : memref<1000x32xf32, #tpu.memory_space<vmem>>, vector<1000x32xf32>,
    %swap3A_49 = arith.constant 0 : index
    %swap3A_50 = arith.constant 0 : index
    %swap3A_51 = vector.load %arg12[%swap3A_49, %swap3A_50] : memref<1000x1xf32, #tpu.memory_space<vmem>>, vector<1000x1xf32>
    tpu.vector_store %arg12[%swap3A_49, %swap3A_50], %max3A_6 {strides = array<i32>} : memref<1000x1xf32, #tpu.memory_space<vmem>>, vector<1000x1xf32>,
    return
  }
  func.func @transform_0(%arg0: i32) -> (i32, i32) {
    %c0_i32 = arith.constant 0 : i32
    %c0_i32_0 = arith.constant 0 : i32
    return %arg0, %c0_i32 : i32, i32
  }
  func.func @transform_1(%arg0: i32) -> (i32, i32) {
    %c0_i32 = arith.constant 0 : i32
    %c0_i32_0 = arith.constant 0 : i32
    return %arg0, %c0_i32 : i32, i32
  }
  func.func @transform_2(%arg0: i32) -> (i32, i32) {
    %c0_i32 = arith.constant 0 : i32
    %c0_i32_0 = arith.constant 0 : i32
    return %arg0, %c0_i32 : i32, i32
  }
  func.func @transform_3(%arg0: i32) -> (i32, i32) {
    %c0_i32 = arith.constant 0 : i32
    %c0_i32_0 = arith.constant 0 : i32
    %c0_i32_1 = arith.constant 0 : i32
    return %c0_i32, %c0_i32_0 : i32, i32
  }
  func.func @transform_4(%arg0: i32) -> i32 {
    %c0_i32 = arith.constant 0 : i32
    %c0_i32_0 = arith.constant 0 : i32
    return %c0_i32 : i32
  }
  func.func @transform_5(%arg0: i32) -> (i32, i32) {
    %c0_i32 = arith.constant 0 : i32
    %c0_i32_0 = arith.constant 0 : i32
    %c0_i32_1 = arith.constant 0 : i32
    return %c0_i32, %c0_i32_0 : i32, i32
  }
  func.func @transform_6(%arg0: i32) -> (i32, i32) {
    %c0_i32 = arith.constant 0 : i32
    %c0_i32_0 = arith.constant 0 : i32
    %c0_i32_1 = arith.constant 0 : i32
    return %c0_i32, %c0_i32_0 : i32, i32
  }
  func.func @transform_7(%arg0: i32) -> i32 {
    %c0_i32 = arith.constant 0 : i32
    %c0_i32_0 = arith.constant 0 : i32
    return %c0_i32 : i32
  }
  func.func @transform_8(%arg0: i32) -> (i32, i32) {
    %c0_i32 = arith.constant 0 : i32
    %c0_i32_0 = arith.constant 0 : i32
    %c0_i32_1 = arith.constant 0 : i32
    return %c0_i32, %c0_i32_0 : i32, i32
  }
  func.func @transform_9(%arg0: i32) -> (i32, i32) {
    %c0_i32 = arith.constant 0 : i32
    %c0_i32_0 = arith.constant 0 : i32
    return %arg0, %c0_i32 : i32, i32
  }
  func.func @transform_10(%arg0: i32) -> (i32, i32) {
    %c0_i32 = arith.constant 0 : i32
    %c0_i32_0 = arith.constant 0 : i32
    return %arg0, %c0_i32 : i32, i32
  }
  func.func @transform_11(%arg0: i32) -> (i32, i32) {
    %c0_i32 = arith.constant 0 : i32
    %c0_i32_0 = arith.constant 0 : i32
    return %arg0, %c0_i32 : i32, i32
  }
}

module attributes {stable_mosaic.version = 14 : i64} {
  func.func @_tc2_body(%arg0: i32, %arg1: memref<1000x32xf32, #tpu.memory_space<vmem>>, %arg2: memref<1000x1xf32, #tpu.memory_space<vmem>>, %arg3: memref<1000x32xf32, #tpu.memory_space<vmem>>, %arg4: memref<1000x32xf32, #tpu.memory_space<vmem>>, %arg5: memref<1000x32xf32, #tpu.memory_space<vmem>>) attributes {dimension_semantics = [#tpu.dimension_semantics<arbitrary>], iteration_bounds = array<i64: 10>, scalar_prefetch = 0 : i64, scratch_operands = 0 : i64, tpu.core_type = #tpu.core_type<tc>, window_params = [{transform_indices = @transform_0, window_bounds = array<i64: 1000, 32>}, {transform_indices = @transform_1, window_bounds = array<i64: 1000, 1>}, {transform_indices = @transform_2, window_bounds = array<i64: 1000, 32>}, {transform_indices = @transform_3, window_bounds = array<i64: 1000, 32>}, {transform_indices = @transform_4, window_bounds = array<i64: 1000, 32>}]} {
    %get3A = arith.constant 0 : index
    %get3A_0 = arith.constant 0 : index
    %get3A_1 = vector.load %arg1[%get3A, %get3A_0] : memref<1000x32xf32, #tpu.memory_space<vmem>>, vector<1000x32xf32>
    %get3A_2 = arith.constant 0 : index
    %get3A_3 = arith.constant 0 : index
    %get3A_4 = vector.load %arg3[%get3A_2, %get3A_3] : memref<1000x32xf32, #tpu.memory_space<vmem>>, vector<1000x32xf32>
    %get3A_5 = arith.constant 0 : index
    %get3A_6 = arith.constant 0 : index
    %get3A_7 = vector.load %arg4[%get3A_5, %get3A_6] : memref<1000x32xf32, #tpu.memory_space<vmem>>, vector<1000x32xf32>
    %add3A = arith.addf %get3A_4, %get3A_7 : vector<1000x32xf32>
    %get3A_8 = arith.constant 0 : index
    %get3A_9 = arith.constant 0 : index
    %get3A_10 = vector.load %arg2[%get3A_8, %get3A_9] : memref<1000x1xf32, #tpu.memory_space<vmem>>, vector<1000x1xf32>
    %div3A = vector.broadcast %get3A_10 : vector<1000x1xf32> to vector<1000x32xf32>
    %div3A_11 = arith.divf %add3A, %div3A : vector<1000x32xf32>
    %add3A_12 = arith.addf %get3A_1, %div3A_11 : vector<1000x32xf32>
    %reduce_max3A = arith.constant dense<0xFF800000> : vector<1000xf32>
    %reduce_max3A_13 = vector.multi_reduction <maximumf>, %add3A_12, %reduce_max3A [1] : vector<1000x32xf32> to vector<1000xf32>
    %broadcast_in_dim3A = vector.shape_cast %reduce_max3A_13 : vector<1000xf32> to vector<1000x1xf32>
    %sub3A = vector.broadcast %broadcast_in_dim3A : vector<1000x1xf32> to vector<1000x32xf32>
    %sub3A_14 = arith.subf %add3A_12, %sub3A : vector<1000x32xf32>
    %exp3A = math.exp %sub3A_14 : vector<1000x32xf32>
    %reduce_sum3A = arith.constant dense<0.000000e+00> : vector<1000xf32>
    %reduce_sum3A_15 = vector.multi_reduction <add>, %exp3A, %reduce_sum3A [1] : vector<1000x32xf32> to vector<1000xf32>
    %broadcast_in_dim3A_16 = vector.shape_cast %reduce_sum3A_15 : vector<1000xf32> to vector<1000x1xf32>
    %log3A = math.log %broadcast_in_dim3A_16 : vector<1000x1xf32>
    %sub3A_17 = vector.broadcast %log3A : vector<1000x1xf32> to vector<1000x32xf32>
    %sub3A_18 = arith.subf %sub3A_14, %sub3A_17 : vector<1000x32xf32>
    %swap3A = arith.constant 0 : index
    %swap3A_19 = arith.constant 0 : index
    %swap3A_20 = vector.load %arg5[%swap3A, %swap3A_19] : memref<1000x32xf32, #tpu.memory_space<vmem>>, vector<1000x32xf32>
    tpu.vector_store %arg5[%swap3A, %swap3A_19], %sub3A_18 {strides = array<i32>} : memref<1000x32xf32, #tpu.memory_space<vmem>>, vector<1000x32xf32>,
    return
  }
  func.func @transform_0(%arg0: i32) -> (i32, i32) {
    %c0_i32 = arith.constant 0 : i32
    %c0_i32_0 = arith.constant 0 : i32
    return %arg0, %c0_i32 : i32, i32
  }
  func.func @transform_1(%arg0: i32) -> (i32, i32) {
    %c0_i32 = arith.constant 0 : i32
    %c0_i32_0 = arith.constant 0 : i32
    return %arg0, %c0_i32 : i32, i32
  }
  func.func @transform_2(%arg0: i32) -> (i32, i32) {
    %c0_i32 = arith.constant 0 : i32
    %c0_i32_0 = arith.constant 0 : i32
    return %arg0, %c0_i32 : i32, i32
  }
  func.func @transform_3(%arg0: i32) -> (i32, i32) {
    %c0_i32 = arith.constant 0 : i32
    %c0_i32_0 = arith.constant 0 : i32
    return %arg0, %c0_i32 : i32, i32
  }
  func.func @transform_4(%arg0: i32) -> (i32, i32) {
    %c0_i32 = arith.constant 0 : i32
    %c0_i32_0 = arith.constant 0 : i32
    return %arg0, %c0_i32 : i32, i32
  }
}

</mosaic_0001>

<sc_bundles>
// kernel: kernel.6.cloned.1.call-start
scs
__scs_entry_jumppad:
0x0: {  	(pc) =	sbr.rel $0x88, $3  }
0x1: {  	(tag) =	ssettag $0x0;
	lr =	simm.s32 $0x1  }
0x2: {  	[smem:$0x3F99] =	sst lr;
	_ =	strace $0xD0000000  }
0x3: {  	_ = 	snop  }
0x4: {  	_ = 	snop  }
0x5: {  	_ = 	snop  }
0x6: {  	_ = 	snop  }
0x7: {  	_ = 	snop  }
__scs_overlays_trampoline_lowered:
0x8: {  	[smem:$0x3FA8] =	sst s0  }
0x9: {  	[smem:$0x3FA9] =	sst s1  }
0xa: {  	[smem:$0x3FAA] =	sst s2  }
0xb: {  	[smem:$0x3FAB] =	sst s3  }
0xc: {  	[smem:$0x3FAC] =	sst s4  }
0xd: {  	[smem:$0x3FAD] =	sst s5  }
0xe: {  	[smem:$0x3FAE] =	sst s6  }
0xf: {  	[smem:$0x3FAF] =	sst s7  }
0x10: {  	[smem:$0x3FB0] =	sst s8  }
0x11: {  	[smem:$0x3FB1] =	sst s9;
	s0 =	simm.s32 @!p0 $0x0  }
0x12: {  	s1 =	sld [smem:$0x3F97];
	s0 =	simm.s32 @p0 $0x1  }
0x13: {  	[smem:$0x3FB2] =	sst s0;
	s0 =	simm.s32 @!p1 $0x0  }
0x14: {  	s2 =	sld [smem:$0x3F96];
	s0 =	simm.s32 @p1 $0x1  }
0x15: {  	[smem:$0x3FB3] =	sst s0;
	s0 =	simm.s32 @!p2 $0x0  }
0x16: {  	s3 =	sld [smem:$0x3FDB];
	s0 =	simm.s32 @p2 $0x1  }
0x17: {  	s4 =	simm.s32 $0x1BF5;
	[smem:$0x3FB5] =	sst s0  }
0x18: {  	s0 =	sld [smem:$0x3F98];
	_ =	swait.ge [sflag:s4], $0x0  }
0x19: {  	s7 =	sld [smem:$0x3F99]  }
0x1a: {  	s8 =	sadd.s32 $0xFFFFE003, lr  }
0x1b: {  	s9 =	sadd.s32 $0xFFFFFEF7, lr;
	s5 =	simm.s32 $0xFFFFFFFF;
	p2 =	slt.u32 s8, $0xFFFFF086  }
0x1c: {  	p1 =	slt.u32 s9, $0xF7A;
	s5 =	simm.s32 @!p2 $0x0  }
0x1d: {  	s5 =	simm.s32 @p1 $0x1;
	p0 =	seq.s32 s7, s2  }
0x1e: {  	s7 =	smul.u32 @!p0 $0xF7A, s2;
	p2 =	seq.s32 @!p0 s5, $0x0  }
0x1f: {  	s9 =	smul.u32 $0xF7A, s1;
	s8 =	simm.s32 @!p0 $0x1BF5;
	p2 =	por !p2, p0  }
0x20: {  	[sflag:s8] =	ssyncset.s32 @!p0 $0xFFFFF086;
	s6 =	sadd.s32 @!p0 s3, s7;
	s7 =	simm.s32 @!p0 $0x108  }
0x21: {  	s3 =	sadd.s32 s3, s9;
	s6 =	sadd.s32 @!p0 $0x88, s6;
	s7 =	simm.s32 @p2 $0x1082  }
0x22: {  	[simem:s7], [sflag:s8] =	dma.local @!p0 [hbm:s6], $0xF7A  }
0x23: {  	s9 =	sor.u32 $0xD0000000, s2;
	s6 =	simm.s32 $0x108;
	_ =	swait.ge @!p0 [sflag:s8], $0x0  }
0x24: {  	s3 =	sadd.s32 $0x88, s3;
	s6 =	simm.s32 @!p1 $0x1082;
	[sflag:s4] =	ssyncset.s32 $0xFFFFF086  }
0x25: {  	[simem:s6], [sflag:s4] =	dma.local [hbm:s3], $0xF7A  }
0x26: {  	[smem:$0x3F99] =	sst s1;
	(tag) =	ssettag s2;
	_ =	strace s9  }
0x27: {  	s1 =	sld [smem:$0x3FA9]  }
0x28: {  	s2 =	sld [smem:$0x3FAA]  }
0x29: {  	s4 =	sld [smem:$0x3FAC]  }
0x2a: {  	p0 =	seq.s32 s5, $0x0;
	s5 =	sld [smem:$0x3FAD]  }
0x2b: {  	s6 =	sld [smem:$0x3FAE]  }
0x2c: {  	s7 =	sld [smem:$0x3FAF]  }
0x2d: {  	s3 =	simm.s32 $0x108;
	s8 =	sld [smem:$0x3FB0]  }
0x2e: {  	s3 =	simm.s32 @!p0 $0x1082;
	s9 =	sld [smem:$0x3FB1]  }
0x2f: {  	lr =	sadd.s32 s0, s3;
	s0 =	sld [smem:$0x3FA8]  }
0x30: {  	s3 =	sld [smem:$0x3FAB]  }
0x31: {  	[smem:$0x3FB4] =	sst s10  }
0x32: {  	s10 =	sld [smem:$0x3FB2];
	_ =	sdelay $0x3  }
0x33: {  	p0 =	seq.s32 s10, $0x1;
	s10 =	sld [smem:$0x3FB4];
	_ =	sdelay $0x3  }
0x34: {  	[smem:$0x3FB4] =	sst s10  }
0x35: {  	s10 =	sld [smem:$0x3FB3];
	_ =	sdelay $0x3  }
0x36: {  	p1 =	seq.s32 s10, $0x1;
	s10 =	sld [smem:$0x3FB4];
	_ =	sdelay $0x3  }
0x37: {  	[smem:$0x3FB4] =	sst s10  }
0x38: {  	s10 =	sld [smem:$0x3FB5]  }
0x39: {  	_ = 	snop;
	(pc) =	sbr.ind lr, $3  }
0x3a: {  	_ = 	snop  }
0x3b: {  	_ = 	snop  }
0x3c: {  	p2 =	seq.s32 s10, $0x1;
	s10 =	sld [smem:$0x3FB4]  }
0x3d: {  	_ =	shalt  }
0x3e: {  	_ =	shalt  }
0x3f: {  	_ =	shalt  }
0x40: {  	_ =	shalt  }
0x41: {  	_ =	shalt  }
0x42: {  	_ =	shalt  }
0x43: {  	_ =	shalt  }
0x44: {  	_ =	shalt  }
0x45: {  	_ =	shalt  }
0x46: {  	_ =	shalt  }
0x47: {  	_ =	shalt  }
0x48: {  	_ =	shalt  }
0x49: {  	_ =	shalt  }
0x4a: {  	_ =	shalt  }
0x4b: {  	_ =	shalt  }
0x4c: {  	_ =	shalt  }
0x4d: {  	_ =	shalt  }
0x4e: {  	_ =	shalt  }
0x4f: {  	_ =	shalt  }
0x50: {  	_ =	shalt  }
0x51: {  	_ =	shalt  }
0x52: {  	_ =	shalt  }
0x53: {  	_ =	shalt  }
0x54: {  	_ =	shalt  }
0x55: {  	_ =	shalt  }
0x56: {  	_ =	shalt  }
0x57: {  	_ =	shalt  }
0x58: {  	_ =	shalt  }
0x59: {  	_ =	shalt  }
0x5a: {  	_ =	shalt  }
0x5b: {  	_ =	shalt  }
0x5c: {  	_ =	shalt  }
0x5d: {  	_ =	shalt  }
0x5e: {  	_ =	shalt  }
0x5f: {  	_ =	shalt  }
0x60: {  	_ =	shalt  }
0x61: {  	_ =	shalt  }
0x62: {  	_ =	shalt  }
0x63: {  	_ =	shalt  }
0x64: {  	_ =	shalt  }
0x65: {  	_ =	shalt  }
0x66: {  	_ =	shalt  }
0x67: {  	_ =	shalt  }
0x68: {  	_ =	shalt  }
0x69: {  	_ =	shalt  }
0x6a: {  	_ =	shalt  }
0x6b: {  	_ =	shalt  }
0x6c: {  	_ =	shalt  }
0x6d: {  	_ =	shalt  }
0x6e: {  	_ =	shalt  }
0x6f: {  	_ =	shalt  }
0x70: {  	_ =	shalt  }
0x71: {  	_ =	shalt  }
0x72: {  	_ =	shalt  }
0x73: {  	_ =	shalt  }
0x74: {  	_ =	shalt  }
0x75: {  	_ =	shalt  }
0x76: {  	_ =	shalt  }
0x77: {  	_ =	shalt  }
0x78: {  	_ =	shalt  }
0x79: {  	_ =	shalt  }
0x7a: {  	_ =	shalt  }
0x7b: {  	_ =	shalt  }
0x7c: {  	_ =	shalt  }
0x7d: {  	_ =	shalt  }
0x7e: {  	_ =	shalt  }
0x7f: {  	_ =	shalt  }
0x80: {  	_ =	shalt  }
0x81: {  	_ =	shalt  }
0x82: {  	_ =	shalt  }
0x83: {  	_ =	shalt  }
0x84: {  	_ =	shalt  }
0x85: {  	_ =	shalt  }
0x86: {  	_ =	shalt  }
0x87: {  	_ =	shalt  }
.Lfunc_end0:
.L_simem_size_0:
called_computation_lowered:
.L_overlay_start_0:
0x88: {  	s2 =	sld [smem:$0x3FD9]  }
0x89: {  	s3 =	sld [smem:$0x3FFE];
	_ =	sdelay $0x1  }
0x8a: {  	s1 =	srdreg.scid  }
0x8b: {  	s0 =	sand.u32 $0x1, s1  }
0x8c: {  	s16 =	sshll.u32 s0, $0xA;
	s2 =	sadd.s32 s3, s2  }
0x8d: {  	s2 =	sadd.s32 s2, s16  }
0x8e: {  	[smem:$0x3FC0] =	sst s2  }
0x8f: {  	_ = 	snop  }
0x90: {  	(tm) =	ssettm $0x1  }
0x91: {  	s17 =	sld [smem:$0x3FFB];
	_ =	sdelay $0x3  }
0x92: {  	_ =	strace s17  }
0x93: {  	s2 =	sld [smem:$0x3FFC];
	_ =	sdelay $0x3  }
0x94: {  	_ =	strace s2  }
0x95: {  	s2 =	sld [smem:$0x3FFD];
	_ =	sdelay $0x3  }
0x96: {  	_ =	strace s2  }
0x97: {  	_ =	strace $0x8FFFFFFF  }
0x98: {  	s18 =	sld [smem:$0x3FDB];
	_ =	sdelay $0x1  }
0x99: {  	s19 =	simm.s32 $_scs_section_size  }
0x9a: {  	s4 =	simm.s32 $_size__tile_overlayer_lowered;
	s5 =	simm.s32 $_tile_overlayer_lowered  }
0x9b: {  	s22 =	simm.s32 $0x1BFF;
	s21 =	sshll.u32 s5, $0x1;
	s2 =	sadd.s32 s19, s18  }
0x9c: {  	s6 =	simm.s32 $0x0;
	s20 =	sshll.u32 s4, $0x1;
	s4 =	sadd.s32 s21, s2  }
0x9d: {  	[timem:s6], [sflag:s22] =	dma.local [hbm:s4], s20  }
0x9e: {  	_ =	swait.ge [sflag:s22], s20  }
0x9f: {  	s3 =	ssub.s32 $0x0, s20;
	[sflag:s22] =	ssyncset.done $0x0  }
0xa0: {  	[sflag:s22] =	ssyncadd.s32 s3;
	_ =	sdelay $0x1  }
0xa1: {  	s23 =	simm.s32 $0x1B8B  }
0xa2: {  	_ =	swait.ge [sflag:s23], $0x1  }
0xa3: {  	[sflag:s23] =	ssyncset.done $0x0  }
0xa4: {  	s25 =	simm.s32 $0x1B8E;
	s24 =	sld [smem:$0x3FFE];
	[sflag:s23] =	ssyncadd.s32 $0xFFFFFFFF  }
0xa5: {  	s26 =	simm.s32 $execute0_lowered;
	[smem:$0x3FD2] =	sst s25  }
0xa6: {  	s4 =	sshll.u32 s26, $0x1;
	_ =	strace $0x80000046;
	[dreg:$0x1] =	wrdreg $0xFFFFFFFF  }
0xa7: {  	s28 =	simm.s32 $_size_execute0_lowered;
	s2 =	sadd.s32 s2, s4;
	[dreg:$0x0] =	wrdreg $0x0  }
0xa8: {  	s4 =	sshll.u32 s28, $0x1;
	[dreg:$0x2] =	wrdreg s2  }
0xa9: {  	[dreg:$0x3] =	wrdreg s4  }
0xaa: {  	[dreg:$0x4] =	wrdreg $0xC0  }
0xab: {  	_ =	task [dreg:s6], $0x5FFFF  }
0xac: {  	[dreg:$0x1] =	wrdreg $0xFFFFFFFF  }
0xad: {  	[dreg:$0x0] =	wrdreg $0x60  }
0xae: {  	[dreg:$0x2] =	wrdreg s24  }
0xaf: {  	[dreg:$0x3] =	wrdreg $0x98000  }
0xb0: {  	[dreg:$0x4] =	wrdreg $0x9  }
0xb1: {  	_ =	task.clear_ibuf [dreg:s6], $0x5FFFF;
	_ =	strace $0x90000046  }
0xb2: {  	s29 =	simm.s32 $0x9;
	_ =	strace $0x80000048  }
0xb3: {  	_ =	swait.ge [sflag:s29], $0x1  }
0xb4: {  	[sflag:s29] =	ssyncadd.s32 $0xFFFFFFFF  }
0xb5: {  	_ =	strace $0x90000048  }
0xb6: {  	_ =	sfence  }
0xb7: {  	s30 =	sld [smem:$0x0];
	_ =	sdelay $0x2  }
0xb8: {  	s31 =	sshll.u32 s1, $0xD;
	s1 =	sshrl.u32 s1, $0x2  }
0xb9: {  	s3 =	sand.u32 $0x4000, s31;
	s1 =	sadd.s32 s1, s30  }
0xba: {  	s0 =	sor.u32 s3, s0;
	s1 =	sshll.u32 s1, $0x11  }
0xbb: {  	s0 =	sor.u32 s1, s0  }
0xbc: {  	s0 =	sadd.s32 $0x8F2B, s0  }
0xbd: {  	[sflag:s0] =	ssyncadd.remote.s32 $0x1  }
0xbe: {  	_ =	sfence.sel $0xFFFF  }
0xbf: {  	[dreg:$0x0] =	wrdreg $0xFFFFFFFF;
	(pc) =	sbr.abs _section_cstart, $3  }
0xc0: {  	[dreg:$0x1] =	wrdreg $0xFFFFFFFF  }
0xc1: {  	_ =	task.clear_ibuf [dreg:s6], $0x2FFFF;
	_ =	strace $0x9FFFFFFF  }
0xc2: {  	(tm) =	ssettm $0x7FFFFFFF  }
0xc3: {  	_ =	shalt  }
tec
execute0_lowered:
.L_overlay_start_1:
0x0: {  	(tag) =	ssettag $0x1  }
0x1: {  	s5 =	rddreg [dreg:$0x0]  }
0x2: {  	s1 =	rddreg [dreg:$0x1]  }
0x3: {  	s2 =	srdreg.scid;
	s0 =	rddreg [dreg:$0x2];
	s3 =	simm.s32 $0x0  }
0x4: {  	s13 =	simm.s32 $0x80;
	s14 =	simm.s32 $0x5000;
	s15 =	simm.s32 $0x1  }
0x5: {  	s6 =	sand.u32 $0x1, s2;
	s2 =	stileid.u32;
	[smem:$0x7FF] =	sst s3  }
0x6: {  	s4 =	sshll.u32 s6, $0x4;
	s8 =	smul.u32 $0x16800, s2;
	_ =	strace $0x80000047  }
0x7: {  	s9 =	smul.u32 $0x2D000, s6;
	s6 =	ssub.s32 $0x2, s6;
	s31 =	sshll.u32 s2, $0x6  }
0x8: {  	s7 =	sor.u32 s2, s4;
	s4 =	sadd.s32 $0x2000, s5;
	s11 =	sshrl.u32 s6, $0x1  }
0x9: {  	s7 =	smul.u32 $0x500, s7;
	s16 =	sshrl.u32 s8, $0x3;
	s9 =	sadd.s32 s9, s5  }
0xa: {  	s11 =	ssub.s32 s6, s11;
	s12 =	sadd.s32 s8, s1;
	s6 =	sor.u32 $0x1C02, s31  }
0xb: {  	s30 =	sadd.s32 s16, s5;
	s17 =	sadd.s32 $0x6F000, s9;
	s9 =	smax.u32 s11, $0x1  }
0xc: {  	s11 =	simm.s32 $0x2;
	s10 =	sadd.s32 s7, s5;
	s5 =	sadd.s32 $0x42000, s30  }
0xd: {  	s16 =	sadd.s32 s16, s17;
	s17 =	simm.s32 $0x0;
	s7 =	sadd.s32 $0x2E000, s10  }
0xe: {  	s8 =	sadd.s32 $0x38000, s10;
	s10 =	sshrl.u32 s12, $0x3;
	s12 =	simm.s32 $0x2800  }
.LBB2_1:
0xf: {  	[spmem:s10], [sflag:s6] =	dma.local [hbm:s5], $0x2D00  }
0x10: {  	_ =	swait.ge [sflag:s11], $0x2D00  }
0x11: {  	[sflag:s11] =	ssyncset.done $0x0  }
0x12: {  	[sflag:s11] =	ssyncadd.s32 $0xFFFFD300  }
0x13: {  	[tilespmem:s3], [sflag:$0x2] =	stream.linear.gather [hbm4b:s7+s3], $0x2800, $0x38;
	v63 =	vld [tilespmem:$0x0]  }
0x14: {  	_ =	swait.ge [sflag:s11], $0x2800  }
0x15: {  	[sflag:s11] =	ssyncset.done $0x0  }
0x16: {  	[sflag:s11] =	ssyncadd.s32 $0xFFFFD800  }
0x17: {  	[tilespmem:s12], [sflag:$0x2] =	stream.linear.gather [hbm4b:s8+s3], $0x2800, $0x38;
	v63 =	vld [tilespmem:$0x0]  }
0x18: {  	_ =	swait.ge [sflag:s11], $0x2800  }
0x19: {  	[sflag:s11] =	ssyncset.done $0x0  }
0x1a: {  	[sflag:s11] =	ssyncadd.s32 $0xFFFFD800  }
0x1b: {  	s18 =	simm.s32 $0x0;
	[bflag:$0x0] =	sbarrier.arrive $0xFFFF  }
0x1c: {  	[tilespmem:s14], [sflag:$0x1] =	stream.indirect.gather [hbm4b:s4+s13], $0x90, s18, s13, $0xb8;
	v63 =	vld [tilespmem:$0x0]  }
0x1d: {  	_ =	swait.ge [sflag:s15], $0x4800  }
0x1e: {  	[sflag:s15] =	ssyncset.done $0x0  }
0x1f: {  	s31 =	simm.s32 $0x2800;
	[sflag:s15] =	ssyncadd.s32 $0xFFFFB800  }
0x20: {  	[spmem:s1] =	stream.indirect.scatter.add.f32 [tilespmem:s14], [sflag:$0x2], $0x90, s31, s13, $0xb8;
	v63 =	vld [tilespmem:$0x0]  }
0x21: {  	_ =	swait.ge [sflag:s11], $0x4800  }
0x22: {  	s19 =	simm.s32 $0x400;
	s18 =	simm.s32 $0x200;
	[sflag:s11] =	ssyncset.done $0x0  }
.LBB2_2:
0x23: {  	s20 =	sshra.s32 s18, $0x2  }
0x24: {  	[sflag:s11] =	ssyncadd.s32 $0xFFFFB800;
	s18 =	smov.u32 s19;
	s21 =	sadd.s32 $0x200, s19  }
0x25: {  	[tilespmem:s14], [sflag:$0x1] =	stream.indirect.gather [hbm4b:s4+s13], $0x90, s20, s13, $0xb8;
	v63 =	vld [tilespmem:$0x0]  }
0x26: {  	p0 =	sne.s32 s19, $0x9E00;
	_ =	swait.ge [sflag:s15], $0x4800  }
.Ltmp0:
0x27: {  	[sflag:s15] =	ssyncset.done $0x0;
	(pc) =	sbr.rel @p0 .LBB2_2-.Ltmp0, $4  }
0x28: {  	s19 =	sadd.s32 $0x2800, s20;
	[sflag:s15] =	ssyncadd.s32 $0xFFFFB800  }
0x29: {  	[spmem:s1] =	stream.indirect.scatter.add.f32 [tilespmem:s14], [sflag:$0x2], $0x90, s19, s13, $0xb8;
	v63 =	vld [tilespmem:$0x0]  }
0x2a: {  	_ =	swait.ge [sflag:s11], $0x4800  }
0x2b: {  	s19 =	smov.u32 s21;
	[sflag:s11] =	ssyncset.done $0x0  }
0x2c: {  	s18 =	sshra.s32 s18, $0x2;
	[sflag:s11] =	ssyncadd.s32 $0xFFFFB800  }
0x2d: {  	[tilespmem:s14], [sflag:$0x1] =	stream.indirect.gather [hbm4b:s4+s13], $0x90, s18, s13, $0xb8;
	v63 =	vld [tilespmem:$0x0]  }
0x2e: {  	_ =	swait.ge [sflag:s15], $0x4800  }
0x2f: {  	[sflag:s15] =	ssyncset.done $0x0  }
0x30: {  	s18 =	sadd.s32 $0x2800, s18;
	[sflag:s15] =	ssyncadd.s32 $0xFFFFB800  }
0x31: {  	[spmem:s1] =	stream.indirect.scatter.add.f32 [tilespmem:s14], [sflag:$0x2], $0x90, s18, s13, $0xb8;
	v63 =	vld [tilespmem:$0x0]  }
0x32: {  	_ =	swait.ge [sflag:s11], $0x4800  }
0x33: {  	s17 =	sadd.s32 $0x1, s17;
	[sflag:s11] =	ssyncset.done $0x0  }
0x34: {  	p0 =	sne.s32 s17, s9;
	[sflag:s11] =	ssyncadd.s32 $0xFFFFB800  }
.Ltmp1:
0x35: {  	[bflag:$0x0] =	sbarrier.arrive $0xFFFF;
	(pc) =	sbr.rel @p0 .LBB2_1-.Ltmp1, $4  }
0x36: {  	[hbm:s16], [sflag:s6] =	dma.local [spmem:s10], $0x2D00  }
0x37: {  	_ =	swait.ge [sflag:s11], $0x2D00  }
0x38: {  	[sflag:s11] =	ssyncset.done $0x0  }
0x39: {  	[sflag:s11] =	ssyncadd.s32 $0xFFFFD300  }
0x3a: {  	_ =	sfence.sel $0x180000  }
0x3b: {  	[bflag:$0x0] =	sbarrier.arrive $0xFFFF  }
0x3c: {  	p0 =	sne.s32 s2, $0x0;
	_ =	strace $0x90000047  }
0x3d: {  	s0 =	sadd.s32 @!p0 $0x100000, s0;
	[bflag:$0x2] =	sbarrier.arrive $0xFFFF  }
0x3e: {  	[sflag:s0] =	ssyncadd.tile.s32 @!p0 $0x1;
	_ =	shalt  }
.Lfunc_end2:
_tile_overlayer_lowered:
.L_overlay_start_2:
0x3f: {  	(tag) =	ssettag $0x2  }
0x40: {  	s0 =	rddreg [dreg:$0x0];
	s2 =	stileid.u32  }
0x41: {  	s1 =	rddreg [dreg:$0x1];
	p0 =	sne.s32 s2, $0x0  }
0x42: {  	s3 =	rddreg [dreg:$0x2];
	[bflag:$0x3] =	sbarrier.arrive $0xFFFF;
	s2 =	simm.s32 @!p0 $0x1C02  }
0x43: {  	[timem:s3], [sflag:s2] =	dma.local @!p0 [hbm:s0], s1  }
0x44: {  	s0 =	simm.s32 @!p0 $0x2  }
0x45: {  	_ =	swait.ge @!p0 [sflag:s0], s1  }
0x46: {  	s1 =	ssub.s32 @!p0 $0x0, s1;
	[sflag:s0] =	ssyncset.done @!p0 $0x0  }
0x47: {  	[sflag:s0] =	ssyncadd.s32 @!p0 s1  }
0x48: {  	[bflag:$0x3] =	sbarrier.arrive $0xFFFF  }
0x49: {  	_ =	shalt  }

// kernel: kernel.9.cloned.1.call-start
scs
__scs_entry_jumppad:
0x0: {  	(pc) =	sbr.rel $0x88, $3  }
0x1: {  	(tag) =	ssettag $0x0;
	lr =	simm.s32 $0x1  }
0x2: {  	[smem:$0x3F99] =	sst lr;
	_ =	strace $0xD0000000  }
0x3: {  	_ = 	snop  }
0x4: {  	_ = 	snop  }
0x5: {  	_ = 	snop  }
0x6: {  	_ = 	snop  }
0x7: {  	_ = 	snop  }
__scs_overlays_trampoline_lowered:
0x8: {  	[smem:$0x3FA8] =	sst s0  }
0x9: {  	[smem:$0x3FA9] =	sst s1  }
0xa: {  	[smem:$0x3FAA] =	sst s2  }
0xb: {  	[smem:$0x3FAB] =	sst s3  }
0xc: {  	[smem:$0x3FAC] =	sst s4  }
0xd: {  	[smem:$0x3FAD] =	sst s5  }
0xe: {  	[smem:$0x3FAE] =	sst s6  }
0xf: {  	[smem:$0x3FAF] =	sst s7  }
0x10: {  	[smem:$0x3FB0] =	sst s8  }
0x11: {  	[smem:$0x3FB1] =	sst s9;
	s0 =	simm.s32 @!p0 $0x0  }
0x12: {  	s1 =	sld [smem:$0x3F97];
	s0 =	simm.s32 @p0 $0x1  }
0x13: {  	[smem:$0x3FB2] =	sst s0;
	s0 =	simm.s32 @!p1 $0x0  }
0x14: {  	s2 =	sld [smem:$0x3F96];
	s0 =	simm.s32 @p1 $0x1  }
0x15: {  	[smem:$0x3FB3] =	sst s0;
	s0 =	simm.s32 @!p2 $0x0  }
0x16: {  	s3 =	sld [smem:$0x3FDB];
	s0 =	simm.s32 @p2 $0x1  }
0x17: {  	s4 =	simm.s32 $0x1BF5;
	[smem:$0x3FB5] =	sst s0  }
0x18: {  	s0 =	sld [smem:$0x3F98];
	_ =	swait.ge [sflag:s4], $0x0  }
0x19: {  	s7 =	sld [smem:$0x3F99]  }
0x1a: {  	s8 =	sadd.s32 $0xFFFFE003, lr  }
0x1b: {  	s9 =	sadd.s32 $0xFFFFFEF7, lr;
	s5 =	simm.s32 $0xFFFFFFFF;
	p2 =	slt.u32 s8, $0xFFFFF086  }
0x1c: {  	p1 =	slt.u32 s9, $0xF7A;
	s5 =	simm.s32 @!p2 $0x0  }
0x1d: {  	s5 =	simm.s32 @p1 $0x1;
	p0 =	seq.s32 s7, s2  }
0x1e: {  	s7 =	smul.u32 @!p0 $0xF7A, s2;
	p2 =	seq.s32 @!p0 s5, $0x0  }
0x1f: {  	s9 =	smul.u32 $0xF7A, s1;
	s8 =	simm.s32 @!p0 $0x1BF5;
	p2 =	por !p2, p0  }
0x20: {  	[sflag:s8] =	ssyncset.s32 @!p0 $0xFFFFF086;
	s6 =	sadd.s32 @!p0 s3, s7;
	s7 =	simm.s32 @!p0 $0x108  }
0x21: {  	s3 =	sadd.s32 s3, s9;
	s6 =	sadd.s32 @!p0 $0x88, s6;
	s7 =	simm.s32 @p2 $0x1082  }
0x22: {  	[simem:s7], [sflag:s8] =	dma.local @!p0 [hbm:s6], $0xF7A  }
0x23: {  	s9 =	sor.u32 $0xD0000000, s2;
	s6 =	simm.s32 $0x108;
	_ =	swait.ge @!p0 [sflag:s8], $0x0  }
0x24: {  	s3 =	sadd.s32 $0x88, s3;
	s6 =	simm.s32 @!p1 $0x1082;
	[sflag:s4] =	ssyncset.s32 $0xFFFFF086  }
0x25: {  	[simem:s6], [sflag:s4] =	dma.local [hbm:s3], $0xF7A  }
0x26: {  	[smem:$0x3F99] =	sst s1;
	(tag) =	ssettag s2;
	_ =	strace s9  }
0x27: {  	s1 =	sld [smem:$0x3FA9]  }
0x28: {  	s2 =	sld [smem:$0x3FAA]  }
0x29: {  	s4 =	sld [smem:$0x3FAC]  }
0x2a: {  	p0 =	seq.s32 s5, $0x0;
	s5 =	sld [smem:$0x3FAD]  }
0x2b: {  	s6 =	sld [smem:$0x3FAE]  }
0x2c: {  	s7 =	sld [smem:$0x3FAF]  }
0x2d: {  	s3 =	simm.s32 $0x108;
	s8 =	sld [smem:$0x3FB0]  }
0x2e: {  	s3 =	simm.s32 @!p0 $0x1082;
	s9 =	sld [smem:$0x3FB1]  }
0x2f: {  	lr =	sadd.s32 s0, s3;
	s0 =	sld [smem:$0x3FA8]  }
0x30: {  	s3 =	sld [smem:$0x3FAB]  }
0x31: {  	[smem:$0x3FB4] =	sst s10  }
0x32: {  	s10 =	sld [smem:$0x3FB2];
	_ =	sdelay $0x3  }
0x33: {  	p0 =	seq.s32 s10, $0x1;
	s10 =	sld [smem:$0x3FB4];
	_ =	sdelay $0x3  }
0x34: {  	[smem:$0x3FB4] =	sst s10  }
0x35: {  	s10 =	sld [smem:$0x3FB3];
	_ =	sdelay $0x3  }
0x36: {  	p1 =	seq.s32 s10, $0x1;
	s10 =	sld [smem:$0x3FB4];
	_ =	sdelay $0x3  }
0x37: {  	[smem:$0x3FB4] =	sst s10  }
0x38: {  	s10 =	sld [smem:$0x3FB5]  }
0x39: {  	_ = 	snop;
	(pc) =	sbr.ind lr, $3  }
0x3a: {  	_ = 	snop  }
0x3b: {  	_ = 	snop  }
0x3c: {  	p2 =	seq.s32 s10, $0x1;
	s10 =	sld [smem:$0x3FB4]  }
0x3d: {  	_ =	shalt  }
0x3e: {  	_ =	shalt  }
0x3f: {  	_ =	shalt  }
0x40: {  	_ =	shalt  }
0x41: {  	_ =	shalt  }
0x42: {  	_ =	shalt  }
0x43: {  	_ =	shalt  }
0x44: {  	_ =	shalt  }
0x45: {  	_ =	shalt  }
0x46: {  	_ =	shalt  }
0x47: {  	_ =	shalt  }
0x48: {  	_ =	shalt  }
0x49: {  	_ =	shalt  }
0x4a: {  	_ =	shalt  }
0x4b: {  	_ =	shalt  }
0x4c: {  	_ =	shalt  }
0x4d: {  	_ =	shalt  }
0x4e: {  	_ =	shalt  }
0x4f: {  	_ =	shalt  }
0x50: {  	_ =	shalt  }
0x51: {  	_ =	shalt  }
0x52: {  	_ =	shalt  }
0x53: {  	_ =	shalt  }
0x54: {  	_ =	shalt  }
0x55: {  	_ =	shalt  }
0x56: {  	_ =	shalt  }
0x57: {  	_ =	shalt  }
0x58: {  	_ =	shalt  }
0x59: {  	_ =	shalt  }
0x5a: {  	_ =	shalt  }
0x5b: {  	_ =	shalt  }
0x5c: {  	_ =	shalt  }
0x5d: {  	_ =	shalt  }
0x5e: {  	_ =	shalt  }
0x5f: {  	_ =	shalt  }
0x60: {  	_ =	shalt  }
0x61: {  	_ =	shalt  }
0x62: {  	_ =	shalt  }
0x63: {  	_ =	shalt  }
0x64: {  	_ =	shalt  }
0x65: {  	_ =	shalt  }
0x66: {  	_ =	shalt  }
0x67: {  	_ =	shalt  }
0x68: {  	_ =	shalt  }
0x69: {  	_ =	shalt  }
0x6a: {  	_ =	shalt  }
0x6b: {  	_ =	shalt  }
0x6c: {  	_ =	shalt  }
0x6d: {  	_ =	shalt  }
0x6e: {  	_ =	shalt  }
0x6f: {  	_ =	shalt  }
0x70: {  	_ =	shalt  }
0x71: {  	_ =	shalt  }
0x72: {  	_ =	shalt  }
0x73: {  	_ =	shalt  }
0x74: {  	_ =	shalt  }
0x75: {  	_ =	shalt  }
0x76: {  	_ =	shalt  }
0x77: {  	_ =	shalt  }
0x78: {  	_ =	shalt  }
0x79: {  	_ =	shalt  }
0x7a: {  	_ =	shalt  }
0x7b: {  	_ =	shalt  }
0x7c: {  	_ =	shalt  }
0x7d: {  	_ =	shalt  }
0x7e: {  	_ =	shalt  }
0x7f: {  	_ =	shalt  }
0x80: {  	_ =	shalt  }
0x81: {  	_ =	shalt  }
0x82: {  	_ =	shalt  }
0x83: {  	_ =	shalt  }
0x84: {  	_ =	shalt  }
0x85: {  	_ =	shalt  }
0x86: {  	_ =	shalt  }
0x87: {  	_ =	shalt  }
.Lfunc_end0:
.L_simem_size_0:
called_computation.1_lowered:
.L_overlay_start_0:
0x88: {  	s2 =	sld [smem:$0x3FD9]  }
0x89: {  	s3 =	sld [smem:$0x3FFE];
	_ =	sdelay $0x1  }
0x8a: {  	s1 =	srdreg.scid  }
0x8b: {  	s0 =	sand.u32 $0x1, s1  }
0x8c: {  	s17 =	sshll.u32 s0, $0xA;
	s2 =	sadd.s32 s3, s2  }
0x8d: {  	s2 =	sadd.s32 s2, s17  }
0x8e: {  	[smem:$0x3FC0] =	sst s2  }
0x8f: {  	_ = 	snop  }
0x90: {  	s2 =	sld [smem:$0x3FD0];
	(tm) =	ssettm $0x1  }
0x91: {  	s18 =	sld [smem:$0x3FFB];
	_ =	sdelay $0x3  }
0x92: {  	_ =	strace s18  }
0x93: {  	s3 =	sld [smem:$0x3FFC];
	_ =	sdelay $0x3  }
0x94: {  	_ =	strace s3  }
0x95: {  	s3 =	sld [smem:$0x3FFD];
	_ =	sdelay $0x3  }
0x96: {  	_ =	strace s3  }
0x97: {  	_ =	strace $0x8FFFFFFF  }
0x98: {  	s19 =	sld [smem:$0x3FDB];
	_ =	sdelay $0x1  }
0x99: {  	s4 =	simm.s32 $_scs_section_size  }
0x9a: {  	s5 =	simm.s32 $_size__tile_overlayer_lowered;
	s6 =	simm.s32 $_tile_overlayer_lowered  }
0x9b: {  	s22 =	simm.s32 $0x1BFF;
	s21 =	sshll.u32 s6, $0x1;
	s3 =	sadd.s32 s4, s19  }
0x9c: {  	s7 =	simm.s32 $0x0;
	s20 =	sshll.u32 s5, $0x1;
	s5 =	sadd.s32 s21, s3  }
0x9d: {  	[timem:s7], [sflag:s22] =	dma.local [hbm:s5], s20  }
0x9e: {  	_ =	swait.ge [sflag:s22], s20  }
0x9f: {  	s4 =	ssub.s32 $0x0, s20;
	[sflag:s22] =	ssyncset.done $0x0  }
0xa0: {  	[sflag:s22] =	ssyncadd.s32 s4;
	_ =	sdelay $0x1  }
0xa1: {  	s23 =	simm.s32 $0x1B8B  }
0xa2: {  	_ =	swait.ge [sflag:s23], $0x1  }
0xa3: {  	[sflag:s23] =	ssyncset.done $0x0  }
0xa4: {  	s25 =	simm.s32 $0x1B8E;
	s24 =	sld [smem:$0x3FFE];
	[sflag:s23] =	ssyncadd.s32 $0xFFFFFFFF  }
0xa5: {  	s26 =	simm.s32 $execute0_lowered;
	[smem:$0x3FD2] =	sst s25  }
0xa6: {  	s5 =	sshll.u32 s26, $0x1;
	_ =	strace $0x80000049;
	[dreg:$0x1] =	wrdreg $0xFFFFFFFF  }
0xa7: {  	s28 =	simm.s32 $_size_execute0_lowered;
	s3 =	sadd.s32 s3, s5;
	[dreg:$0x0] =	wrdreg $0x0  }
0xa8: {  	s5 =	sshll.u32 s28, $0x1;
	[dreg:$0x2] =	wrdreg s3  }
0xa9: {  	[dreg:$0x3] =	wrdreg s5  }
0xaa: {  	[dreg:$0x4] =	wrdreg $0xC0  }
0xab: {  	_ =	task [dreg:s7], $0x5FFFF  }
0xac: {  	[dreg:$0x1] =	wrdreg $0xFFFFFFFF  }
0xad: {  	[dreg:$0x0] =	wrdreg $0x60  }
0xae: {  	[dreg:$0x2] =	wrdreg s2  }
0xaf: {  	[dreg:$0x3] =	wrdreg s24  }
0xb0: {  	[dreg:$0x4] =	wrdreg $0x60000  }
0xb1: {  	[dreg:$0x5] =	wrdreg $0x9  }
0xb2: {  	_ =	task.clear_ibuf [dreg:s7], $0x6FFFF;
	_ =	strace $0x90000049  }
0xb3: {  	s29 =	simm.s32 $0x9;
	_ =	strace $0x8000004B  }
0xb4: {  	_ =	swait.ge [sflag:s29], $0x1  }
0xb5: {  	[sflag:s29] =	ssyncadd.s32 $0xFFFFFFFF  }
0xb6: {  	_ =	strace $0x9000004B  }
0xb7: {  	_ =	sfence  }
0xb8: {  	s30 =	sld [smem:$0x0];
	_ =	sdelay $0x2  }
0xb9: {  	s31 =	sshll.u32 s1, $0xD;
	s1 =	sshrl.u32 s1, $0x2  }
0xba: {  	s3 =	sand.u32 $0x4000, s31;
	s1 =	sadd.s32 s1, s30  }
0xbb: {  	s0 =	sor.u32 s3, s0;
	s1 =	sshll.u32 s1, $0x11  }
0xbc: {  	s0 =	sor.u32 s1, s0  }
0xbd: {  	s0 =	sadd.s32 $0x8F2B, s0  }
0xbe: {  	[sflag:s0] =	ssyncadd.remote.s32 $0x1  }
0xbf: {  	_ =	sfence.sel $0xFFFF  }
0xc0: {  	[dreg:$0x0] =	wrdreg $0xFFFFFFFF;
	(pc) =	sbr.abs _section_cstart, $3  }
0xc1: {  	[dreg:$0x1] =	wrdreg $0xFFFFFFFF  }
0xc2: {  	_ =	task.clear_ibuf [dreg:s7], $0x2FFFF;
	_ =	strace $0x9FFFFFFF  }
0xc3: {  	(tm) =	ssettm $0x7FFFFFFF  }
tec
execute0_lowered:
.L_overlay_start_1:
0x0: {  	(tag) =	ssettag $0x1  }
0x1: {  	s1 =	rddreg [dreg:$0x0]  }
0x2: {  	s5 =	rddreg [dreg:$0x1]  }
0x3: {  	s2 =	rddreg [dreg:$0x2]  }
0x4: {  	s3 =	srdreg.scid;
	s0 =	rddreg [dreg:$0x3]  }
0x5: {  	s4 =	simm.s32 $0x0;
	s13 =	simm.s32 $0x80;
	s14 =	simm.s32 $0x5000  }
0x6: {  	s15 =	simm.s32 $0x1;
	s6 =	sand.u32 $0x1, s3;
	s3 =	stileid.u32  }
0x7: {  	[smem:$0x7FF] =	sst s4;
	s7 =	sshll.u32 s6, $0x4;
	s8 =	smul.u32 $0x5000, s3  }
0x8: {  	_ =	strace $0x8000004A;
	s9 =	smul.u32 $0xA000, s6;
	s6 =	ssub.s32 $0x2, s6  }
0x9: {  	s31 =	sshll.u32 s3, $0x6;
	s7 =	sor.u32 s3, s7;
	s11 =	sshrl.u32 s6, $0x1  }
0xa: {  	s7 =	smul.u32 $0x500, s7;
	s16 =	sshrl.u32 s8, $0x3;
	s9 =	sadd.s32 s9, s5  }
0xb: {  	s11 =	ssub.s32 s6, s11;
	s12 =	sadd.s32 s8, s2;
	s6 =	sor.u32 $0x1C02, s31  }
0xc: {  	s30 =	sadd.s32 s16, s5;
	s17 =	sadd.s32 $0x4C000, s9;
	s9 =	smax.u32 s11, $0x1  }
0xd: {  	s11 =	simm.s32 $0x2;
	s10 =	sadd.s32 s7, s5;
	s5 =	sadd.s32 $0x42000, s30  }
0xe: {  	s16 =	sadd.s32 s16, s17;
	s17 =	simm.s32 $0x0;
	s7 =	sadd.s32 $0x2E000, s10  }
0xf: {  	s8 =	sadd.s32 $0x38000, s10;
	s10 =	sshrl.u32 s12, $0x3;
	s12 =	simm.s32 $0x2800  }
.LBB2_1:
0x10: {  	[spmem:s10], [sflag:s6] =	dma.local [hbm:s5], $0xA00  }
0x11: {  	_ =	swait.ge [sflag:s11], $0xA00  }
0x12: {  	[sflag:s11] =	ssyncset.done $0x0  }
0x13: {  	[sflag:s11] =	ssyncadd.s32 $0xFFFFF600  }
0x14: {  	[tilespmem:s4], [sflag:$0x2] =	stream.linear.gather [hbm4b:s7+s4], $0x2800, $0x38;
	[tilespmem:$0xB000] =	vst v63  }
0x15: {  	_ =	swait.ge [sflag:s11], $0x2800  }
0x16: {  	[sflag:s11] =	ssyncset.done $0x0  }
0x17: {  	[sflag:s11] =	ssyncadd.s32 $0xFFFFD800  }
0x18: {  	[tilespmem:s12], [sflag:$0x2] =	stream.linear.gather [hbm4b:s8+s4], $0x2800, $0x38;
	[tilespmem:$0xB000] =	vst v63  }
0x19: {  	_ =	swait.ge [sflag:s11], $0x2800  }
0x1a: {  	[sflag:s11] =	ssyncset.done $0x0  }
0x1b: {  	[sflag:s11] =	ssyncadd.s32 $0xFFFFD800  }
0x1c: {  	s18 =	simm.s32 $0x0;
	[bflag:$0x0] =	sbarrier.arrive $0xFFFF  }
0x1d: {  	[tilespmem:s14], [sflag:$0x1] =	stream.indirect.gather [hbm4b:s1+s13], $0x20, s18, s13, $0xb8;
	[tilespmem:$0xB000] =	vst v63  }
0x1e: {  	_ =	swait.ge [sflag:s15], $0x1000  }
0x1f: {  	[sflag:s15] =	ssyncset.done $0x0  }
0x20: {  	s31 =	simm.s32 $0x2800;
	[sflag:s15] =	ssyncadd.s32 $0xFFFFF000  }
0x21: {  	[spmem:s2] =	stream.indirect.scatter.add.f32 [tilespmem:s14], [sflag:$0x2], $0x20, s31, s13, $0xb8;
	[tilespmem:$0xB000] =	vst v63  }
0x22: {  	_ =	swait.ge [sflag:s11], $0x1000  }
0x23: {  	s19 =	simm.s32 $0x400;
	s18 =	simm.s32 $0x200;
	[sflag:s11] =	ssyncset.done $0x0  }
.LBB2_2:
0x24: {  	s20 =	sshra.s32 s18, $0x2  }
0x25: {  	[sflag:s11] =	ssyncadd.s32 $0xFFFFF000;
	s18 =	smov.u32 s19;
	s21 =	sadd.s32 $0x200, s19  }
0x26: {  	[tilespmem:s14], [sflag:$0x1] =	stream.indirect.gather [hbm4b:s1+s13], $0x20, s20, s13, $0xb8;
	[tilespmem:$0xB000] =	vst v63  }
0x27: {  	p0 =	sne.s32 s19, $0x9E00;
	_ =	swait.ge [sflag:s15], $0x1000  }
.Ltmp0:
0x28: {  	[sflag:s15] =	ssyncset.done $0x0;
	(pc) =	sbr.rel @p0 .LBB2_2-.Ltmp0, $4  }
0x29: {  	s19 =	sadd.s32 $0x2800, s20;
	[sflag:s15] =	ssyncadd.s32 $0xFFFFF000  }
0x2a: {  	[spmem:s2] =	stream.indirect.scatter.add.f32 [tilespmem:s14], [sflag:$0x2], $0x20, s19, s13, $0xb8;
	[tilespmem:$0xB000] =	vst v63  }
0x2b: {  	_ =	swait.ge [sflag:s11], $0x1000  }
0x2c: {  	s19 =	smov.u32 s21;
	[sflag:s11] =	ssyncset.done $0x0  }
0x2d: {  	s18 =	sshra.s32 s18, $0x2;
	[sflag:s11] =	ssyncadd.s32 $0xFFFFF000  }
0x2e: {  	[tilespmem:s14], [sflag:$0x1] =	stream.indirect.gather [hbm4b:s1+s13], $0x20, s18, s13, $0xb8;
	[tilespmem:$0xB000] =	vst v63  }
0x2f: {  	_ =	swait.ge [sflag:s15], $0x1000  }
0x30: {  	[sflag:s15] =	ssyncset.done $0x0  }
0x31: {  	s18 =	sadd.s32 $0x2800, s18;
	[sflag:s15] =	ssyncadd.s32 $0xFFFFF000  }
0x32: {  	[spmem:s2] =	stream.indirect.scatter.add.f32 [tilespmem:s14], [sflag:$0x2], $0x20, s18, s13, $0xb8;
	[tilespmem:$0xB000] =	vst v63  }
0x33: {  	_ =	swait.ge [sflag:s11], $0x1000  }
0x34: {  	s17 =	sadd.s32 $0x1, s17;
	[sflag:s11] =	ssyncset.done $0x0  }
0x35: {  	p0 =	sne.s32 s17, s9;
	[sflag:s11] =	ssyncadd.s32 $0xFFFFF000  }
.Ltmp1:
0x36: {  	[bflag:$0x0] =	sbarrier.arrive $0xFFFF;
	(pc) =	sbr.rel @p0 .LBB2_1-.Ltmp1, $4  }
0x37: {  	[hbm:s16], [sflag:s6] =	dma.local [spmem:s10], $0xA00  }
0x38: {  	_ =	swait.ge [sflag:s11], $0xA00  }
0x39: {  	[sflag:s11] =	ssyncset.done $0x0  }
0x3a: {  	[sflag:s11] =	ssyncadd.s32 $0xFFFFF600  }
0x3b: {  	_ =	sfence.sel $0x180000  }
0x3c: {  	[bflag:$0x0] =	sbarrier.arrive $0xFFFF  }
0x3d: {  	p0 =	sne.s32 s3, $0x0;
	_ =	strace $0x9000004A  }
0x3e: {  	s0 =	sadd.s32 @!p0 $0x100000, s0;
	[bflag:$0x2] =	sbarrier.arrive $0xFFFF  }
0x3f: {  	[sflag:s0] =	ssyncadd.tile.s32 @!p0 $0x1;
	_ =	shalt  }
.Lfunc_end2:
_tile_overlayer_lowered:
.L_overlay_start_2:
0x40: {  	(tag) =	ssettag $0x2  }
0x41: {  	s0 =	rddreg [dreg:$0x0];
	s2 =	stileid.u32  }
0x42: {  	s1 =	rddreg [dreg:$0x1];
	p0 =	sne.s32 s2, $0x0  }
0x43: {  	s3 =	rddreg [dreg:$0x2];
	[bflag:$0x3] =	sbarrier.arrive $0xFFFF;
	s2 =	simm.s32 @!p0 $0x1C02  }
0x44: {  	[timem:s3], [sflag:s2] =	dma.local @!p0 [hbm:s0], s1  }
0x45: {  	s0 =	simm.s32 @!p0 $0x2  }
0x46: {  	_ =	swait.ge @!p0 [sflag:s0], s1  }
0x47: {  	s1 =	ssub.s32 @!p0 $0x0, s1;
	[sflag:s0] =	ssyncset.done @!p0 $0x0  }
0x48: {  	[sflag:s0] =	ssyncadd.s32 @!p0 s1  }
0x49: {  	[bflag:$0x3] =	sbarrier.arrive $0xFFFF  }
0x4a: {  	_ =	shalt  }

</sc_bundles>
